<compile_context>
chip_gen: v7x
topology: tpu7x:2x2x1
jax: 0.10.2.dev20260603
libtpu: 0.0.44.dev20260713+nightly
codegen_flags: <defaults>
</compile_context>

<pallas_src>
import functools

import jax
import jax.numpy as jnp
from jax import lax
from jax.experimental import pallas as pl
from jax.experimental.pallas import tpu as pltpu
from jax.experimental.pallas import tpu_sc as plsc

L = 4096
NUM_WORKERS = 32
ROWS_PER_WORKER = L // NUM_WORKERS
ROWS_PER_CHUNK = 1
NUM_CHUNKS = ROWS_PER_WORKER // ROWS_PER_CHUNK
VECS_PER_ROW = L // 16
NBUF = 8
ROUNDS = NUM_CHUNKS // NBUF


def _sc_lookup(table16, idx):
    mesh = plsc.VectorSubcoreMesh(core_axis_name="c", subcore_axis_name="s")

    scratch = [pltpu.VMEM((16,), jnp.float32)]
    scratch += [pltpu.VMEM((ROWS_PER_CHUNK, L), jnp.int32)] * NBUF
    scratch += [pltpu.VMEM((ROWS_PER_CHUNK, L), jnp.float32)] * NBUF
    scratch += [pltpu.SemaphoreType.DMA] * (2 * NBUF)

    @functools.partial(
        pl.kernel,
        mesh=mesh,
        out_type=jax.ShapeDtypeStruct((L, L), jnp.float32),
        compiler_params=pltpu.CompilerParams(needs_layout_passes=False),
        scratch_types=scratch,
    )
    def k(table_hbm, idx_hbm, out_hbm, tab_v, *bufs):
        idx_b = bufs[:NBUF]
        out_b = bufs[NBUF:2 * NBUF]
        sin = bufs[2 * NBUF:3 * NBUF]
        sout = bufs[3 * NBUF:4 * NBUF]
        wid = lax.axis_index("s") * 2 + lax.axis_index("c")
        row_base = wid * ROWS_PER_WORKER
        pltpu.sync_copy(table_hbm, tab_v)
        tab_vec = tab_v[...]

        for b in range(NBUF):
            pltpu.async_copy(
                idx_hbm.at[pl.ds(row_base + b * ROWS_PER_CHUNK,
                                 ROWS_PER_CHUNK)],
                idx_b[b], sin[b])

        def round_body(r, carry):
            for b in range(NBUF):
                ci = r * NBUF + b
                r0 = row_base + ci * ROWS_PER_CHUNK
                pltpu.make_async_copy(
                    idx_hbm.at[pl.ds(r0, ROWS_PER_CHUNK)],
                    idx_b[b], sin[b]).wait()

                @pl.when(r > 0)
                def _wait_out():
                    pltpu.make_async_copy(
                        out_b[b], out_hbm.at[pl.ds(r0, ROWS_PER_CHUNK)],
                        sout[b]).wait()

                for row in range(ROWS_PER_CHUNK):
                    @plsc.parallel_loop(0, VECS_PER_ROW, 1, unroll=8)
                    def _vec(vi):
                        s = pl.ds(vi * 16, 16)
                        iv = idx_b[b][row, s]
                        out_b[b][row, s] = tab_vec.at[iv].get(
                            mode="promise_in_bounds")

                pltpu.async_copy(
                    out_b[b], out_hbm.at[pl.ds(r0, ROWS_PER_CHUNK)], sout[b])

                @pl.when(ci + NBUF < NUM_CHUNKS)
                def _prefetch():
                    r2 = row_base + (ci + NBUF) * ROWS_PER_CHUNK
                    pltpu.async_copy(
                        idx_hbm.at[pl.ds(r2, ROWS_PER_CHUNK)],
                        idx_b[b], sin[b])

            return carry

        lax.fori_loop(0, ROUNDS, round_body, 0)

        for b in range(NBUF):
            pltpu.make_async_copy(
                out_b[b], out_hbm.at[pl.ds(row_base, ROWS_PER_CHUNK)],
                sout[b]).wait()

    return k(table16, idx)


def kernel(selected_ids, crf_transitions_model):
    idx = selected_ids.astype(jnp.int32)
    flat = crf_transitions_model.reshape(-1)
    table16 = jnp.concatenate([flat, jnp.zeros((1,), jnp.float32)])
    return _sc_lookup(table16, idx)

# --- scband reference (transcript-rebuilt; emitter-appended) ---
"""Pipeline reference for scband-abstract-transition-layer-89137751261297 (READ-ONLY COPY).

The authoritative reference and input builder live on the scoring server;
editing this copy changes nothing except your own understanding.
"""

import jax, jax.numpy as jnp
import numpy as np

L = 4096

def setup_inputs(seed: int = 0) -> dict:
    key = jax.random.key(seed)
    k1, k2 = jax.random.split(key)
    # selected_ids: precomputed index matrix (the module caches this from the label dict);
    # values index into the flattened 3x5 transition parameter (15 entries)
    selected_ids = jax.random.randint(k1, (L, L), 0, 15)
    crf_transitions_model = jax.random.normal(k2, (3, 5), dtype=jnp.float32)
    return {"selected_ids": selected_ids, "crf_transitions_model": crf_transitions_model}

def reference(selected_ids, crf_transitions_model):
    label_size = selected_ids.shape[0]
    flat = crf_transitions_model.reshape(-1)
    transitions_matrix = jnp.take(flat, selected_ids.reshape(-1), axis=0)
    transitions_matrix = transitions_matrix.reshape(label_size, label_size)
    return transitions_matrix

if __name__ == "__main__":
    import jax
    _d = setup_inputs()
    print(jax.jit(kernel)(*tuple(_d.values())))

</pallas_src>

<mosaic_0001>
#map = affine_map<(d0, d1) -> (0)>
#map1 = affine_map<(d0, d1) -> (0, 0)>
module attributes {stable_mosaic.version = 14 : i64} {
  func.func @k(%arg0: i32, %arg1: i32, %arg2: memref<16xf32, #tpu.memory_space<hbm>>, %arg3: memref<4096x4096xi32, #tpu.memory_space<hbm>>, %arg4: memref<4096x4096xf32, #tpu.memory_space<hbm>>, %arg5: memref<16xf32, #tpu.memory_space<vmem>>, %arg6: memref<1x4096xi32, #tpu.memory_space<vmem>>, %arg7: memref<1x4096xi32, #tpu.memory_space<vmem>>, %arg8: memref<1x4096xi32, #tpu.memory_space<vmem>>, %arg9: memref<1x4096xi32, #tpu.memory_space<vmem>>, %arg10: memref<1x4096xi32, #tpu.memory_space<vmem>>, %arg11: memref<1x4096xi32, #tpu.memory_space<vmem>>, %arg12: memref<1x4096xi32, #tpu.memory_space<vmem>>, %arg13: memref<1x4096xi32, #tpu.memory_space<vmem>>, %arg14: memref<1x4096xf32, #tpu.memory_space<vmem>>, %arg15: memref<1x4096xf32, #tpu.memory_space<vmem>>, %arg16: memref<1x4096xf32, #tpu.memory_space<vmem>>, %arg17: memref<1x4096xf32, #tpu.memory_space<vmem>>, %arg18: memref<1x4096xf32, #tpu.memory_space<vmem>>, %arg19: memref<1x4096xf32, #tpu.memory_space<vmem>>, %arg20: memref<1x4096xf32, #tpu.memory_space<vmem>>, %arg21: memref<1x4096xf32, #tpu.memory_space<vmem>>, %arg22: memref<!tpu.dma_semaphore, #tpu.memory_space<semaphore_mem>>, %arg23: memref<!tpu.dma_semaphore, #tpu.memory_space<semaphore_mem>>, %arg24: memref<!tpu.dma_semaphore, #tpu.memory_space<semaphore_mem>>, %arg25: memref<!tpu.dma_semaphore, #tpu.memory_space<semaphore_mem>>, %arg26: memref<!tpu.dma_semaphore, #tpu.memory_space<semaphore_mem>>, %arg27: memref<!tpu.dma_semaphore, #tpu.memory_space<semaphore_mem>>, %arg28: memref<!tpu.dma_semaphore, #tpu.memory_space<semaphore_mem>>, %arg29: memref<!tpu.dma_semaphore, #tpu.memory_space<semaphore_mem>>, %arg30: memref<!tpu.dma_semaphore, #tpu.memory_space<semaphore_mem>>, %arg31: memref<!tpu.dma_semaphore, #tpu.memory_space<semaphore_mem>>, %arg32: memref<!tpu.dma_semaphore, #tpu.memory_space<semaphore_mem>>, %arg33: memref<!tpu.dma_semaphore, #tpu.memory_space<semaphore_mem>>, %arg34: memref<!tpu.dma_semaphore, #tpu.memory_space<semaphore_mem>>, %arg35: memref<!tpu.dma_semaphore, #tpu.memory_space<semaphore_mem>>, %arg36: memref<!tpu.dma_semaphore, #tpu.memory_space<semaphore_mem>>, %arg37: memref<!tpu.dma_semaphore, #tpu.memory_space<semaphore_mem>>) attributes {dimension_semantics = [#tpu.dimension_semantics<core_parallel>, #tpu.dimension_semantics<subcore_parallel>], iteration_bounds = array<i64: 2, 16>, scalar_prefetch = 0 : i64, scratch_operands = 33 : i64, tpu.core_type = #tpu.core_type<sc_vector_subcore>, window_params = [{transform_indices = #map}, {transform_indices = #map1}, {transform_indices = #map1}]} {
    %mul3A = arith.constant 2 : i32
    %mul3A_0 = arith.muli %arg1, %mul3A : i32
    %add3A = arith.addi %mul3A_0, %arg0 : i32
    %mul3A_1 = arith.constant 128 : i32
    %mul3A_2 = arith.muli %add3A, %mul3A_1 : i32
    "tpu.region"() ({
      %run_scoped3A = tpu.sem_alloc : memref<!tpu.dma_semaphore, #tpu.memory_space<semaphore_mem>>
      tpu.enqueue_dma source(%arg2 : memref<16xf32, #tpu.memory_space<hbm>>) target(%arg5 : memref<16xf32, #tpu.memory_space<vmem>>) target_semaphore(%run_scoped3A : memref<!tpu.dma_semaphore, #tpu.memory_space<semaphore_mem>>)
      tpu.wait_dma2 semaphore(%run_scoped3A : memref<!tpu.dma_semaphore, #tpu.memory_space<semaphore_mem>>) src(%arg2 : memref<16xf32, #tpu.memory_space<hbm>>) dst(%arg5 : memref<16xf32, #tpu.memory_space<vmem>>)
      tpu.yield
    }) : () -> ()
    %get3A = arith.constant 0 : index
    %get3A_3 = tpu.vector_load %arg5[%get3A] {strides = array<i32>} : memref<16xf32, #tpu.memory_space<vmem>>, vector<16xf32>,
    %add3A_4 = arith.constant 0 : i32
    %add3A_5 = arith.addi %mul3A_2, %add3A_4 : i32
    %dma_start3A = arith.constant 0 : i32
    %dma_start3A_6 = tpu.memref_slice %arg3[%add3A_5, %dma_start3A] : memref<4096x4096xi32, #tpu.memory_space<hbm>> -> memref<1x4096xi32, #tpu.memory_space<hbm>>
    %dma_start3A_7 = arith.constant 0 : i32
    %dma_start3A_8 = tpu.memref_slice %arg3[%add3A_5, %dma_start3A_7] : memref<4096x4096xi32, #tpu.memory_space<hbm>> -> memref<1x4096xi32, #tpu.memory_space<hbm>>
    tpu.enqueue_dma source(%dma_start3A_8 : memref<1x4096xi32, #tpu.memory_space<hbm>>) target(%arg6 : memref<1x4096xi32, #tpu.memory_space<vmem>>) target_semaphore(%arg22 : memref<!tpu.dma_semaphore, #tpu.memory_space<semaphore_mem>>)
    %add3A_9 = arith.constant 1 : i32
    %add3A_10 = arith.addi %mul3A_2, %add3A_9 : i32
    %dma_start3A_11 = arith.constant 0 : i32
    %dma_start3A_12 = tpu.memref_slice %arg3[%add3A_10, %dma_start3A_11] : memref<4096x4096xi32, #tpu.memory_space<hbm>> -> memref<1x4096xi32, #tpu.memory_space<hbm>>
    %dma_start3A_13 = arith.constant 0 : i32
    %dma_start3A_14 = tpu.memref_slice %arg3[%add3A_10, %dma_start3A_13] : memref<4096x4096xi32, #tpu.memory_space<hbm>> -> memref<1x4096xi32, #tpu.memory_space<hbm>>
    tpu.enqueue_dma source(%dma_start3A_14 : memref<1x4096xi32, #tpu.memory_space<hbm>>) target(%arg7 : memref<1x4096xi32, #tpu.memory_space<vmem>>) target_semaphore(%arg23 : memref<!tpu.dma_semaphore, #tpu.memory_space<semaphore_mem>>)
    %add3A_15 = arith.constant 2 : i32
    %add3A_16 = arith.addi %mul3A_2, %add3A_15 : i32
    %dma_start3A_17 = arith.constant 0 : i32
    %dma_start3A_18 = tpu.memref_slice %arg3[%add3A_16, %dma_start3A_17] : memref<4096x4096xi32, #tpu.memory_space<hbm>> -> memref<1x4096xi32, #tpu.memory_space<hbm>>
    %dma_start3A_19 = arith.constant 0 : i32
    %dma_start3A_20 = tpu.memref_slice %arg3[%add3A_16, %dma_start3A_19] : memref<4096x4096xi32, #tpu.memory_space<hbm>> -> memref<1x4096xi32, #tpu.memory_space<hbm>>
    tpu.enqueue_dma source(%dma_start3A_20 : memref<1x4096xi32, #tpu.memory_space<hbm>>) target(%arg8 : memref<1x4096xi32, #tpu.memory_space<vmem>>) target_semaphore(%arg24 : memref<!tpu.dma_semaphore, #tpu.memory_space<semaphore_mem>>)
    %add3A_21 = arith.constant 3 : i32
    %add3A_22 = arith.addi %mul3A_2, %add3A_21 : i32
    %dma_start3A_23 = arith.constant 0 : i32
    %dma_start3A_24 = tpu.memref_slice %arg3[%add3A_22, %dma_start3A_23] : memref<4096x4096xi32, #tpu.memory_space<hbm>> -> memref<1x4096xi32, #tpu.memory_space<hbm>>
    %dma_start3A_25 = arith.constant 0 : i32
    %dma_start3A_26 = tpu.memref_slice %arg3[%add3A_22, %dma_start3A_25] : memref<4096x4096xi32, #tpu.memory_space<hbm>> -> memref<1x4096xi32, #tpu.memory_space<hbm>>
    tpu.enqueue_dma source(%dma_start3A_26 : memref<1x4096xi32, #tpu.memory_space<hbm>>) target(%arg9 : memref<1x4096xi32, #tpu.memory_space<vmem>>) target_semaphore(%arg25 : memref<!tpu.dma_semaphore, #tpu.memory_space<semaphore_mem>>)
    %add3A_27 = arith.constant 4 : i32
    %add3A_28 = arith.addi %mul3A_2, %add3A_27 : i32
    %dma_start3A_29 = arith.constant 0 : i32
    %dma_start3A_30 = tpu.memref_slice %arg3[%add3A_28, %dma_start3A_29] : memref<4096x4096xi32, #tpu.memory_space<hbm>> -> memref<1x4096xi32, #tpu.memory_space<hbm>>
    %dma_start3A_31 = arith.constant 0 : i32
    %dma_start3A_32 = tpu.memref_slice %arg3[%add3A_28, %dma_start3A_31] : memref<4096x4096xi32, #tpu.memory_space<hbm>> -> memref<1x4096xi32, #tpu.memory_space<hbm>>
    tpu.enqueue_dma source(%dma_start3A_32 : memref<1x4096xi32, #tpu.memory_space<hbm>>) target(%arg10 : memref<1x4096xi32, #tpu.memory_space<vmem>>) target_semaphore(%arg26 : memref<!tpu.dma_semaphore, #tpu.memory_space<semaphore_mem>>)
    %add3A_33 = arith.constant 5 : i32
    %add3A_34 = arith.addi %mul3A_2, %add3A_33 : i32
    %dma_start3A_35 = arith.constant 0 : i32
    %dma_start3A_36 = tpu.memref_slice %arg3[%add3A_34, %dma_start3A_35] : memref<4096x4096xi32, #tpu.memory_space<hbm>> -> memref<1x4096xi32, #tpu.memory_space<hbm>>
    %dma_start3A_37 = arith.constant 0 : i32
    %dma_start3A_38 = tpu.memref_slice %arg3[%add3A_34, %dma_start3A_37] : memref<4096x4096xi32, #tpu.memory_space<hbm>> -> memref<1x4096xi32, #tpu.memory_space<hbm>>
    tpu.enqueue_dma source(%dma_start3A_38 : memref<1x4096xi32, #tpu.memory_space<hbm>>) target(%arg11 : memref<1x4096xi32, #tpu.memory_space<vmem>>) target_semaphore(%arg27 : memref<!tpu.dma_semaphore, #tpu.memory_space<semaphore_mem>>)
    %add3A_39 = arith.constant 6 : i32
    %add3A_40 = arith.addi %mul3A_2, %add3A_39 : i32
    %dma_start3A_41 = arith.constant 0 : i32
    %dma_start3A_42 = tpu.memref_slice %arg3[%add3A_40, %dma_start3A_41] : memref<4096x4096xi32, #tpu.memory_space<hbm>> -> memref<1x4096xi32, #tpu.memory_space<hbm>>
    %dma_start3A_43 = arith.constant 0 : i32
    %dma_start3A_44 = tpu.memref_slice %arg3[%add3A_40, %dma_start3A_43] : memref<4096x4096xi32, #tpu.memory_space<hbm>> -> memref<1x4096xi32, #tpu.memory_space<hbm>>
    tpu.enqueue_dma source(%dma_start3A_44 : memref<1x4096xi32, #tpu.memory_space<hbm>>) target(%arg12 : memref<1x4096xi32, #tpu.memory_space<vmem>>) target_semaphore(%arg28 : memref<!tpu.dma_semaphore, #tpu.memory_space<semaphore_mem>>)
    %add3A_45 = arith.constant 7 : i32
    %add3A_46 = arith.addi %mul3A_2, %add3A_45 : i32
    %dma_start3A_47 = arith.constant 0 : i32
    %dma_start3A_48 = tpu.memref_slice %arg3[%add3A_46, %dma_start3A_47] : memref<4096x4096xi32, #tpu.memory_space<hbm>> -> memref<1x4096xi32, #tpu.memory_space<hbm>>
    %dma_start3A_49 = arith.constant 0 : i32
    %dma_start3A_50 = tpu.memref_slice %arg3[%add3A_46, %dma_start3A_49] : memref<4096x4096xi32, #tpu.memory_space<hbm>> -> memref<1x4096xi32, #tpu.memory_space<hbm>>
    tpu.enqueue_dma source(%dma_start3A_50 : memref<1x4096xi32, #tpu.memory_space<hbm>>) target(%arg13 : memref<1x4096xi32, #tpu.memory_space<vmem>>) target_semaphore(%arg29 : memref<!tpu.dma_semaphore, #tpu.memory_space<semaphore_mem>>)
    %scan3A = arith.constant 0 : i32
    %scan3A_51 = arith.constant 0 : i32
    %scan3A_52 = arith.constant 16 : i32
    %scan3A_53 = arith.addi %scan3A_51, %scan3A_52 : i32
    %scan3A_54 = arith.constant 1 : i32
    scf.for %scan3A_87 = %scan3A_51 to %scan3A_53 step %scan3A_54  : i32 {
      %mul3A_88 = arith.constant 8 : i32
      %mul3A_89 = arith.muli %scan3A_87, %mul3A_88 : i32
      %add3A_90 = arith.constant 0 : i32
      %add3A_91 = arith.addi %mul3A_89, %add3A_90 : i32
      %mul3A_92 = arith.constant 1 : i32
      %mul3A_93 = arith.muli %add3A_91, %mul3A_92 : i32
      %add3A_94 = arith.addi %mul3A_2, %mul3A_93 : i32
      %dma_wait3A_95 = arith.constant 0 : i32
      %dma_wait3A_96 = tpu.memref_slice %arg3[%add3A_94, %dma_wait3A_95] : memref<4096x4096xi32, #tpu.memory_space<hbm>> -> memref<1x4096xi32, #tpu.memory_space<hbm>>
      %dma_wait3A_97 = arith.constant 0 : i32
      %dma_wait3A_98 = tpu.memref_slice %arg3[%add3A_94, %dma_wait3A_97] : memref<4096x4096xi32, #tpu.memory_space<hbm>> -> memref<1x4096xi32, #tpu.memory_space<hbm>>
      tpu.wait_dma2 semaphore(%arg22 : memref<!tpu.dma_semaphore, #tpu.memory_space<semaphore_mem>>) src(%dma_wait3A_98 : memref<1x4096xi32, #tpu.memory_space<hbm>>) dst(%arg6 : memref<1x4096xi32, #tpu.memory_space<vmem>>)
      %gt3A = arith.constant 0 : i32
      %gt3A_99 = arith.cmpi sgt, %scan3A_87, %gt3A : i32
      %convert_element_type3A = arith.extui %gt3A_99 : i1 to i32
      %cond3A = arith.constant 0 : i32
      %cond3A_100 = arith.cmpi ne, %convert_element_type3A, %cond3A : i32
      scf.if %cond3A_100 {
        %dma_wait3A_323 = arith.constant 0 : i32
        %dma_wait3A_324 = tpu.memref_slice %arg4[%add3A_94, %dma_wait3A_323] : memref<4096x4096xf32, #tpu.memory_space<hbm>> -> memref<1x4096xf32, #tpu.memory_space<hbm>>
        %dma_wait3A_325 = arith.constant 0 : i32
        %dma_wait3A_326 = tpu.memref_slice %arg4[%add3A_94, %dma_wait3A_325] : memref<4096x4096xf32, #tpu.memory_space<hbm>> -> memref<1x4096xf32, #tpu.memory_space<hbm>>
        tpu.wait_dma2 semaphore(%arg30 : memref<!tpu.dma_semaphore, #tpu.memory_space<semaphore_mem>>) src(%arg14 : memref<1x4096xf32, #tpu.memory_space<vmem>>) dst(%dma_wait3A_326 : memref<1x4096xf32, #tpu.memory_space<hbm>>)
      } else {
      }
      %parallel_loop3A = arith.constant 0 : i32
      %parallel_loop3A_101 = arith.constant 256 : i32
      %parallel_loop3A_102 = arith.constant 1 : i32
      scf.for %parallel_loop3A_323 = %parallel_loop3A to %parallel_loop3A_101 step %parallel_loop3A_102  : i32 {
        %parallel_loop3A_324 = arith.constant 16 : i32
        %parallel_loop3A_325 = arith.muli %parallel_loop3A_323, %parallel_loop3A_324 : i32
        %parallel_loop3A_326 = arith.constant 0 : i32
        %parallel_loop3A_327 = arith.index_cast %parallel_loop3A_326 : i32 to index
        %parallel_loop3A_328 = arith.index_cast %parallel_loop3A_325 : i32 to index
        %parallel_loop3A_329 = tpu.vector_load %arg6[%parallel_loop3A_327, %parallel_loop3A_328] {strides = array<i32>} : memref<1x4096xi32, #tpu.memory_space<vmem>>, vector<16xi32>,
        %parallel_loop3A_330 = arith.constant 0 : i32
        %parallel_loop3A_331 = vector.broadcast %parallel_loop3A_330 : i32 to vector<16xi32>
        %parallel_loop3A_332 = arith.cmpi slt, %parallel_loop3A_329, %parallel_loop3A_331 : vector<16xi32>
        %parallel_loop3A_333 = arith.constant 16 : i32
        %parallel_loop3A_334 = vector.broadcast %parallel_loop3A_333 : i32 to vector<16xi32>
        %parallel_loop3A_335 = arith.addi %parallel_loop3A_329, %parallel_loop3A_334 : vector<16xi32>
        %parallel_loop3A_336 = arith.select %parallel_loop3A_332, %parallel_loop3A_335, %parallel_loop3A_329 : vector<16xi1>, vector<16xi32>
        %parallel_loop3A_337 = vector.shape_cast %parallel_loop3A_336 : vector<16xi32> to vector<16x1xi32>
        %parallel_loop3A_338 = vector.shape_cast %parallel_loop3A_337 : vector<16x1xi32> to vector<16xi32>
        %parallel_loop3A_339 = tpu.dynamic_gather %get3A_3[%parallel_loop3A_338] in [0] : vector<16xf32>, vector<16xi32> -> vector<16xf32>
        %parallel_loop3A_340 = arith.constant 0 : i32
        %parallel_loop3A_341 = arith.index_cast %parallel_loop3A_340 : i32 to index
        %parallel_loop3A_342 = arith.index_cast %parallel_loop3A_325 : i32 to index
        %parallel_loop3A_343 = tpu.vector_load %arg14[%parallel_loop3A_341, %parallel_loop3A_342] {strides = array<i32>} : memref<1x4096xf32, #tpu.memory_space<vmem>>, vector<16xf32>,
        tpu.vector_store %arg14[%parallel_loop3A_341, %parallel_loop3A_342], %parallel_loop3A_339 {strides = array<i32>} : memref<1x4096xf32, #tpu.memory_space<vmem>>, vector<16xf32>,
      } {sc.loop_unroll_factor = 8 : i64, sc.parallel_access}
      %dma_start3A_103 = arith.constant 0 : i32
      %dma_start3A_104 = tpu.memref_slice %arg4[%add3A_94, %dma_start3A_103] : memref<4096x4096xf32, #tpu.memory_space<hbm>> -> memref<1x4096xf32, #tpu.memory_space<hbm>>
      %dma_start3A_105 = arith.constant 0 : i32
      %dma_start3A_106 = tpu.memref_slice %arg4[%add3A_94, %dma_start3A_105] : memref<4096x4096xf32, #tpu.memory_space<hbm>> -> memref<1x4096xf32, #tpu.memory_space<hbm>>
      tpu.enqueue_dma source(%arg14 : memref<1x4096xf32, #tpu.memory_space<vmem>>) target(%dma_start3A_106 : memref<1x4096xf32, #tpu.memory_space<hbm>>) target_semaphore(%arg30 : memref<!tpu.dma_semaphore, #tpu.memory_space<semaphore_mem>>)
      %add3A_107 = arith.constant 8 : i32
      %add3A_108 = arith.addi %add3A_91, %add3A_107 : i32
      %lt3A = arith.constant 128 : i32
      %lt3A_109 = arith.cmpi slt, %add3A_108, %lt3A : i32
      %convert_element_type3A_110 = arith.extui %lt3A_109 : i1 to i32
      %cond3A_111 = arith.constant 0 : i32
      %cond3A_112 = arith.cmpi ne, %convert_element_type3A_110, %cond3A_111 : i32
      scf.if %cond3A_112 {
        %add3A_323 = arith.constant 8 : i32
        %add3A_324 = arith.addi %add3A_91, %add3A_323 : i32
        %mul3A_325 = arith.constant 1 : i32
        %mul3A_326 = arith.muli %add3A_324, %mul3A_325 : i32
        %add3A_327 = arith.addi %mul3A_2, %mul3A_326 : i32
        %dma_start3A_328 = arith.constant 0 : i32
        %dma_start3A_329 = tpu.memref_slice %arg3[%add3A_327, %dma_start3A_328] : memref<4096x4096xi32, #tpu.memory_space<hbm>> -> memref<1x4096xi32, #tpu.memory_space<hbm>>
        %dma_start3A_330 = arith.constant 0 : i32
        %dma_start3A_331 = tpu.memref_slice %arg3[%add3A_327, %dma_start3A_330] : memref<4096x4096xi32, #tpu.memory_space<hbm>> -> memref<1x4096xi32, #tpu.memory_space<hbm>>
        tpu.enqueue_dma source(%dma_start3A_331 : memref<1x4096xi32, #tpu.memory_space<hbm>>) target(%arg6 : memref<1x4096xi32, #tpu.memory_space<vmem>>) target_semaphore(%arg22 : memref<!tpu.dma_semaphore, #tpu.memory_space<semaphore_mem>>)
      } else {
      }
      %mul3A_113 = arith.constant 8 : i32
      %mul3A_114 = arith.muli %scan3A_87, %mul3A_113 : i32
      %add3A_115 = arith.constant 1 : i32
      %add3A_116 = arith.addi %mul3A_114, %add3A_115 : i32
      %mul3A_117 = arith.constant 1 : i32
      %mul3A_118 = arith.muli %add3A_116, %mul3A_117 : i32
      %add3A_119 = arith.addi %mul3A_2, %mul3A_118 : i32
      %dma_wait3A_120 = arith.constant 0 : i32
      %dma_wait3A_121 = tpu.memref_slice %arg3[%add3A_119, %dma_wait3A_120] : memref<4096x4096xi32, #tpu.memory_space<hbm>> -> memref<1x4096xi32, #tpu.memory_space<hbm>>
      %dma_wait3A_122 = arith.constant 0 : i32
      %dma_wait3A_123 = tpu.memref_slice %arg3[%add3A_119, %dma_wait3A_122] : memref<4096x4096xi32, #tpu.memory_space<hbm>> -> memref<1x4096xi32, #tpu.memory_space<hbm>>
      tpu.wait_dma2 semaphore(%arg23 : memref<!tpu.dma_semaphore, #tpu.memory_space<semaphore_mem>>) src(%dma_wait3A_123 : memref<1x4096xi32, #tpu.memory_space<hbm>>) dst(%arg7 : memref<1x4096xi32, #tpu.memory_space<vmem>>)
      %gt3A_124 = arith.constant 0 : i32
      %gt3A_125 = arith.cmpi sgt, %scan3A_87, %gt3A_124 : i32
      %convert_element_type3A_126 = arith.extui %gt3A_125 : i1 to i32
      %cond3A_127 = arith.constant 0 : i32
      %cond3A_128 = arith.cmpi ne, %convert_element_type3A_126, %cond3A_127 : i32
      scf.if %cond3A_128 {
        %dma_wait3A_323 = arith.constant 0 : i32
        %dma_wait3A_324 = tpu.memref_slice %arg4[%add3A_119, %dma_wait3A_323] : memref<4096x4096xf32, #tpu.memory_space<hbm>> -> memref<1x4096xf32, #tpu.memory_space<hbm>>
        %dma_wait3A_325 = arith.constant 0 : i32
        %dma_wait3A_326 = tpu.memref_slice %arg4[%add3A_119, %dma_wait3A_325] : memref<4096x4096xf32, #tpu.memory_space<hbm>> -> memref<1x4096xf32, #tpu.memory_space<hbm>>
        tpu.wait_dma2 semaphore(%arg31 : memref<!tpu.dma_semaphore, #tpu.memory_space<semaphore_mem>>) src(%arg15 : memref<1x4096xf32, #tpu.memory_space<vmem>>) dst(%dma_wait3A_326 : memref<1x4096xf32, #tpu.memory_space<hbm>>)
      } else {
      }
      %parallel_loop3A_129 = arith.constant 0 : i32
      %parallel_loop3A_130 = arith.constant 256 : i32
      %parallel_loop3A_131 = arith.constant 1 : i32
      scf.for %parallel_loop3A_323 = %parallel_loop3A_129 to %parallel_loop3A_130 step %parallel_loop3A_131  : i32 {
        %parallel_loop3A_324 = arith.constant 16 : i32
        %parallel_loop3A_325 = arith.muli %parallel_loop3A_323, %parallel_loop3A_324 : i32
        %parallel_loop3A_326 = arith.constant 0 : i32
        %parallel_loop3A_327 = arith.index_cast %parallel_loop3A_326 : i32 to index
        %parallel_loop3A_328 = arith.index_cast %parallel_loop3A_325 : i32 to index
        %parallel_loop3A_329 = tpu.vector_load %arg7[%parallel_loop3A_327, %parallel_loop3A_328] {strides = array<i32>} : memref<1x4096xi32, #tpu.memory_space<vmem>>, vector<16xi32>,
        %parallel_loop3A_330 = arith.constant 0 : i32
        %parallel_loop3A_331 = vector.broadcast %parallel_loop3A_330 : i32 to vector<16xi32>
        %parallel_loop3A_332 = arith.cmpi slt, %parallel_loop3A_329, %parallel_loop3A_331 : vector<16xi32>
        %parallel_loop3A_333 = arith.constant 16 : i32
        %parallel_loop3A_334 = vector.broadcast %parallel_loop3A_333 : i32 to vector<16xi32>
        %parallel_loop3A_335 = arith.addi %parallel_loop3A_329, %parallel_loop3A_334 : vector<16xi32>
        %parallel_loop3A_336 = arith.select %parallel_loop3A_332, %parallel_loop3A_335, %parallel_loop3A_329 : vector<16xi1>, vector<16xi32>
        %parallel_loop3A_337 = vector.shape_cast %parallel_loop3A_336 : vector<16xi32> to vector<16x1xi32>
        %parallel_loop3A_338 = vector.shape_cast %parallel_loop3A_337 : vector<16x1xi32> to vector<16xi32>
        %parallel_loop3A_339 = tpu.dynamic_gather %get3A_3[%parallel_loop3A_338] in [0] : vector<16xf32>, vector<16xi32> -> vector<16xf32>
        %parallel_loop3A_340 = arith.constant 0 : i32
        %parallel_loop3A_341 = arith.index_cast %parallel_loop3A_340 : i32 to index
        %parallel_loop3A_342 = arith.index_cast %parallel_loop3A_325 : i32 to index
        %parallel_loop3A_343 = tpu.vector_load %arg15[%parallel_loop3A_341, %parallel_loop3A_342] {strides = array<i32>} : memref<1x4096xf32, #tpu.memory_space<vmem>>, vector<16xf32>,
        tpu.vector_store %arg15[%parallel_loop3A_341, %parallel_loop3A_342], %parallel_loop3A_339 {strides = array<i32>} : memref<1x4096xf32, #tpu.memory_space<vmem>>, vector<16xf32>,
      } {sc.loop_unroll_factor = 8 : i64, sc.parallel_access}
      %dma_start3A_132 = arith.constant 0 : i32
      %dma_start3A_133 = tpu.memref_slice %arg4[%add3A_119, %dma_start3A_132] : memref<4096x4096xf32, #tpu.memory_space<hbm>> -> memref<1x4096xf32, #tpu.memory_space<hbm>>
      %dma_start3A_134 = arith.constant 0 : i32
      %dma_start3A_135 = tpu.memref_slice %arg4[%add3A_119, %dma_start3A_134] : memref<4096x4096xf32, #tpu.memory_space<hbm>> -> memref<1x4096xf32, #tpu.memory_space<hbm>>
      tpu.enqueue_dma source(%arg15 : memref<1x4096xf32, #tpu.memory_space<vmem>>) target(%dma_start3A_135 : memref<1x4096xf32, #tpu.memory_space<hbm>>) target_semaphore(%arg31 : memref<!tpu.dma_semaphore, #tpu.memory_space<semaphore_mem>>)
      %add3A_136 = arith.constant 8 : i32
      %add3A_137 = arith.addi %add3A_116, %add3A_136 : i32
      %lt3A_138 = arith.constant 128 : i32
      %lt3A_139 = arith.cmpi slt, %add3A_137, %lt3A_138 : i32
      %convert_element_type3A_140 = arith.extui %lt3A_139 : i1 to i32
      %cond3A_141 = arith.constant 0 : i32
      %cond3A_142 = arith.cmpi ne, %convert_element_type3A_140, %cond3A_141 : i32
      scf.if %cond3A_142 {
        %add3A_323 = arith.constant 8 : i32
        %add3A_324 = arith.addi %add3A_116, %add3A_323 : i32
        %mul3A_325 = arith.constant 1 : i32
        %mul3A_326 = arith.muli %add3A_324, %mul3A_325 : i32
        %add3A_327 = arith.addi %mul3A_2, %mul3A_326 : i32
        %dma_start3A_328 = arith.constant 0 : i32
        %dma_start3A_329 = tpu.memref_slice %arg3[%add3A_327, %dma_start3A_328] : memref<4096x4096xi32, #tpu.memory_space<hbm>> -> memref<1x4096xi32, #tpu.memory_space<hbm>>
        %dma_start3A_330 = arith.constant 0 : i32
        %dma_start3A_331 = tpu.memref_slice %arg3[%add3A_327, %dma_start3A_330] : memref<4096x4096xi32, #tpu.memory_space<hbm>> -> memref<1x4096xi32, #tpu.memory_space<hbm>>
        tpu.enqueue_dma source(%dma_start3A_331 : memref<1x4096xi32, #tpu.memory_space<hbm>>) target(%arg7 : memref<1x4096xi32, #tpu.memory_space<vmem>>) target_semaphore(%arg23 : memref<!tpu.dma_semaphore, #tpu.memory_space<semaphore_mem>>)
      } else {
      }
      %mul3A_143 = arith.constant 8 : i32
      %mul3A_144 = arith.muli %scan3A_87, %mul3A_143 : i32
      %add3A_145 = arith.constant 2 : i32
      %add3A_146 = arith.addi %mul3A_144, %add3A_145 : i32
      %mul3A_147 = arith.constant 1 : i32
      %mul3A_148 = arith.muli %add3A_146, %mul3A_147 : i32
      %add3A_149 = arith.addi %mul3A_2, %mul3A_148 : i32
      %dma_wait3A_150 = arith.constant 0 : i32
      %dma_wait3A_151 = tpu.memref_slice %arg3[%add3A_149, %dma_wait3A_150] : memref<4096x4096xi32, #tpu.memory_space<hbm>> -> memref<1x4096xi32, #tpu.memory_space<hbm>>
      %dma_wait3A_152 = arith.constant 0 : i32
      %dma_wait3A_153 = tpu.memref_slice %arg3[%add3A_149, %dma_wait3A_152] : memref<4096x4096xi32, #tpu.memory_space<hbm>> -> memref<1x4096xi32, #tpu.memory_space<hbm>>
      tpu.wait_dma2 semaphore(%arg24 : memref<!tpu.dma_semaphore, #tpu.memory_space<semaphore_mem>>) src(%dma_wait3A_153 : memref<1x4096xi32, #tpu.memory_space<hbm>>) dst(%arg8 : memref<1x4096xi32, #tpu.memory_space<vmem>>)
      %gt3A_154 = arith.constant 0 : i32
      %gt3A_155 = arith.cmpi sgt, %scan3A_87, %gt3A_154 : i32
      %convert_element_type3A_156 = arith.extui %gt3A_155 : i1 to i32
      %cond3A_157 = arith.constant 0 : i32
      %cond3A_158 = arith.cmpi ne, %convert_element_type3A_156, %cond3A_157 : i32
      scf.if %cond3A_158 {
        %dma_wait3A_323 = arith.constant 0 : i32
        %dma_wait3A_324 = tpu.memref_slice %arg4[%add3A_149, %dma_wait3A_323] : memref<4096x4096xf32, #tpu.memory_space<hbm>> -> memref<1x4096xf32, #tpu.memory_space<hbm>>
        %dma_wait3A_325 = arith.constant 0 : i32
        %dma_wait3A_326 = tpu.memref_slice %arg4[%add3A_149, %dma_wait3A_325] : memref<4096x4096xf32, #tpu.memory_space<hbm>> -> memref<1x4096xf32, #tpu.memory_space<hbm>>
        tpu.wait_dma2 semaphore(%arg32 : memref<!tpu.dma_semaphore, #tpu.memory_space<semaphore_mem>>) src(%arg16 : memref<1x4096xf32, #tpu.memory_space<vmem>>) dst(%dma_wait3A_326 : memref<1x4096xf32, #tpu.memory_space<hbm>>)
      } else {
      }
      %parallel_loop3A_159 = arith.constant 0 : i32
      %parallel_loop3A_160 = arith.constant 256 : i32
      %parallel_loop3A_161 = arith.constant 1 : i32
      scf.for %parallel_loop3A_323 = %parallel_loop3A_159 to %parallel_loop3A_160 step %parallel_loop3A_161  : i32 {
        %parallel_loop3A_324 = arith.constant 16 : i32
        %parallel_loop3A_325 = arith.muli %parallel_loop3A_323, %parallel_loop3A_324 : i32
        %parallel_loop3A_326 = arith.constant 0 : i32
        %parallel_loop3A_327 = arith.index_cast %parallel_loop3A_326 : i32 to index
        %parallel_loop3A_328 = arith.index_cast %parallel_loop3A_325 : i32 to index
        %parallel_loop3A_329 = tpu.vector_load %arg8[%parallel_loop3A_327, %parallel_loop3A_328] {strides = array<i32>} : memref<1x4096xi32, #tpu.memory_space<vmem>>, vector<16xi32>,
        %parallel_loop3A_330 = arith.constant 0 : i32
        %parallel_loop3A_331 = vector.broadcast %parallel_loop3A_330 : i32 to vector<16xi32>
        %parallel_loop3A_332 = arith.cmpi slt, %parallel_loop3A_329, %parallel_loop3A_331 : vector<16xi32>
        %parallel_loop3A_333 = arith.constant 16 : i32
        %parallel_loop3A_334 = vector.broadcast %parallel_loop3A_333 : i32 to vector<16xi32>
        %parallel_loop3A_335 = arith.addi %parallel_loop3A_329, %parallel_loop3A_334 : vector<16xi32>
        %parallel_loop3A_336 = arith.select %parallel_loop3A_332, %parallel_loop3A_335, %parallel_loop3A_329 : vector<16xi1>, vector<16xi32>
        %parallel_loop3A_337 = vector.shape_cast %parallel_loop3A_336 : vector<16xi32> to vector<16x1xi32>
        %parallel_loop3A_338 = vector.shape_cast %parallel_loop3A_337 : vector<16x1xi32> to vector<16xi32>
        %parallel_loop3A_339 = tpu.dynamic_gather %get3A_3[%parallel_loop3A_338] in [0] : vector<16xf32>, vector<16xi32> -> vector<16xf32>
        %parallel_loop3A_340 = arith.constant 0 : i32
        %parallel_loop3A_341 = arith.index_cast %parallel_loop3A_340 : i32 to index
        %parallel_loop3A_342 = arith.index_cast %parallel_loop3A_325 : i32 to index
        %parallel_loop3A_343 = tpu.vector_load %arg16[%parallel_loop3A_341, %parallel_loop3A_342] {strides = array<i32>} : memref<1x4096xf32, #tpu.memory_space<vmem>>, vector<16xf32>,
        tpu.vector_store %arg16[%parallel_loop3A_341, %parallel_loop3A_342], %parallel_loop3A_339 {strides = array<i32>} : memref<1x4096xf32, #tpu.memory_space<vmem>>, vector<16xf32>,
      } {sc.loop_unroll_factor = 8 : i64, sc.parallel_access}
      %dma_start3A_162 = arith.constant 0 : i32
      %dma_start3A_163 = tpu.memref_slice %arg4[%add3A_149, %dma_start3A_162] : memref<4096x4096xf32, #tpu.memory_space<hbm>> -> memref<1x4096xf32, #tpu.memory_space<hbm>>
      %dma_start3A_164 = arith.constant 0 : i32
      %dma_start3A_165 = tpu.memref_slice %arg4[%add3A_149, %dma_start3A_164] : memref<4096x4096xf32, #tpu.memory_space<hbm>> -> memref<1x4096xf32, #tpu.memory_space<hbm>>
      tpu.enqueue_dma source(%arg16 : memref<1x4096xf32, #tpu.memory_space<vmem>>) target(%dma_start3A_165 : memref<1x4096xf32, #tpu.memory_space<hbm>>) target_semaphore(%arg32 : memref<!tpu.dma_semaphore, #tpu.memory_space<semaphore_mem>>)
      %add3A_166 = arith.constant 8 : i32
      %add3A_167 = arith.addi %add3A_146, %add3A_166 : i32
      %lt3A_168 = arith.constant 128 : i32
      %lt3A_169 = arith.cmpi slt, %add3A_167, %lt3A_168 : i32
      %convert_element_type3A_170 = arith.extui %lt3A_169 : i1 to i32
      %cond3A_171 = arith.constant 0 : i32
      %cond3A_172 = arith.cmpi ne, %convert_element_type3A_170, %cond3A_171 : i32
      scf.if %cond3A_172 {
        %add3A_323 = arith.constant 8 : i32
        %add3A_324 = arith.addi %add3A_146, %add3A_323 : i32
        %mul3A_325 = arith.constant 1 : i32
        %mul3A_326 = arith.muli %add3A_324, %mul3A_325 : i32
        %add3A_327 = arith.addi %mul3A_2, %mul3A_326 : i32
        %dma_start3A_328 = arith.constant 0 : i32
        %dma_start3A_329 = tpu.memref_slice %arg3[%add3A_327, %dma_start3A_328] : memref<4096x4096xi32, #tpu.memory_space<hbm>> -> memref<1x4096xi32, #tpu.memory_space<hbm>>
        %dma_start3A_330 = arith.constant 0 : i32
        %dma_start3A_331 = tpu.memref_slice %arg3[%add3A_327, %dma_start3A_330] : memref<4096x4096xi32, #tpu.memory_space<hbm>> -> memref<1x4096xi32, #tpu.memory_space<hbm>>
        tpu.enqueue_dma source(%dma_start3A_331 : memref<1x4096xi32, #tpu.memory_space<hbm>>) target(%arg8 : memref<1x4096xi32, #tpu.memory_space<vmem>>) target_semaphore(%arg24 : memref<!tpu.dma_semaphore, #tpu.memory_space<semaphore_mem>>)
      } else {
      }
      %mul3A_173 = arith.constant 8 : i32
      %mul3A_174 = arith.muli %scan3A_87, %mul3A_173 : i32
      %add3A_175 = arith.constant 3 : i32
      %add3A_176 = arith.addi %mul3A_174, %add3A_175 : i32
      %mul3A_177 = arith.constant 1 : i32
      %mul3A_178 = arith.muli %add3A_176, %mul3A_177 : i32
      %add3A_179 = arith.addi %mul3A_2, %mul3A_178 : i32
      %dma_wait3A_180 = arith.constant 0 : i32
      %dma_wait3A_181 = tpu.memref_slice %arg3[%add3A_179, %dma_wait3A_180] : memref<4096x4096xi32, #tpu.memory_space<hbm>> -> memref<1x4096xi32, #tpu.memory_space<hbm>>
      %dma_wait3A_182 = arith.constant 0 : i32
      %dma_wait3A_183 = tpu.memref_slice %arg3[%add3A_179, %dma_wait3A_182] : memref<4096x4096xi32, #tpu.memory_space<hbm>> -> memref<1x4096xi32, #tpu.memory_space<hbm>>
      tpu.wait_dma2 semaphore(%arg25 : memref<!tpu.dma_semaphore, #tpu.memory_space<semaphore_mem>>) src(%dma_wait3A_183 : memref<1x4096xi32, #tpu.memory_space<hbm>>) dst(%arg9 : memref<1x4096xi32, #tpu.memory_space<vmem>>)
      %gt3A_184 = arith.constant 0 : i32
      %gt3A_185 = arith.cmpi sgt, %scan3A_87, %gt3A_184 : i32
      %convert_element_type3A_186 = arith.extui %gt3A_185 : i1 to i32
      %cond3A_187 = arith.constant 0 : i32
      %cond3A_188 = arith.cmpi ne, %convert_element_type3A_186, %cond3A_187 : i32
      scf.if %cond3A_188 {
        %dma_wait3A_323 = arith.constant 0 : i32
        %dma_wait3A_324 = tpu.memref_slice %arg4[%add3A_179, %dma_wait3A_323] : memref<4096x4096xf32, #tpu.memory_space<hbm>> -> memref<1x4096xf32, #tpu.memory_space<hbm>>
        %dma_wait3A_325 = arith.constant 0 : i32
        %dma_wait3A_326 = tpu.memref_slice %arg4[%add3A_179, %dma_wait3A_325] : memref<4096x4096xf32, #tpu.memory_space<hbm>> -> memref<1x4096xf32, #tpu.memory_space<hbm>>
        tpu.wait_dma2 semaphore(%arg33 : memref<!tpu.dma_semaphore, #tpu.memory_space<semaphore_mem>>) src(%arg17 : memref<1x4096xf32, #tpu.memory_space<vmem>>) dst(%dma_wait3A_326 : memref<1x4096xf32, #tpu.memory_space<hbm>>)
      } else {
      }
      %parallel_loop3A_189 = arith.constant 0 : i32
      %parallel_loop3A_190 = arith.constant 256 : i32
      %parallel_loop3A_191 = arith.constant 1 : i32
      scf.for %parallel_loop3A_323 = %parallel_loop3A_189 to %parallel_loop3A_190 step %parallel_loop3A_191  : i32 {
        %parallel_loop3A_324 = arith.constant 16 : i32
        %parallel_loop3A_325 = arith.muli %parallel_loop3A_323, %parallel_loop3A_324 : i32
        %parallel_loop3A_326 = arith.constant 0 : i32
        %parallel_loop3A_327 = arith.index_cast %parallel_loop3A_326 : i32 to index
        %parallel_loop3A_328 = arith.index_cast %parallel_loop3A_325 : i32 to index
        %parallel_loop3A_329 = tpu.vector_load %arg9[%parallel_loop3A_327, %parallel_loop3A_328] {strides = array<i32>} : memref<1x4096xi32, #tpu.memory_space<vmem>>, vector<16xi32>,
        %parallel_loop3A_330 = arith.constant 0 : i32
        %parallel_loop3A_331 = vector.broadcast %parallel_loop3A_330 : i32 to vector<16xi32>
        %parallel_loop3A_332 = arith.cmpi slt, %parallel_loop3A_329, %parallel_loop3A_331 : vector<16xi32>
        %parallel_loop3A_333 = arith.constant 16 : i32
        %parallel_loop3A_334 = vector.broadcast %parallel_loop3A_333 : i32 to vector<16xi32>
        %parallel_loop3A_335 = arith.addi %parallel_loop3A_329, %parallel_loop3A_334 : vector<16xi32>
        %parallel_loop3A_336 = arith.select %parallel_loop3A_332, %parallel_loop3A_335, %parallel_loop3A_329 : vector<16xi1>, vector<16xi32>
        %parallel_loop3A_337 = vector.shape_cast %parallel_loop3A_336 : vector<16xi32> to vector<16x1xi32>
        %parallel_loop3A_338 = vector.shape_cast %parallel_loop3A_337 : vector<16x1xi32> to vector<16xi32>
        %parallel_loop3A_339 = tpu.dynamic_gather %get3A_3[%parallel_loop3A_338] in [0] : vector<16xf32>, vector<16xi32> -> vector<16xf32>
        %parallel_loop3A_340 = arith.constant 0 : i32
        %parallel_loop3A_341 = arith.index_cast %parallel_loop3A_340 : i32 to index
        %parallel_loop3A_342 = arith.index_cast %parallel_loop3A_325 : i32 to index
        %parallel_loop3A_343 = tpu.vector_load %arg17[%parallel_loop3A_341, %parallel_loop3A_342] {strides = array<i32>} : memref<1x4096xf32, #tpu.memory_space<vmem>>, vector<16xf32>,
        tpu.vector_store %arg17[%parallel_loop3A_341, %parallel_loop3A_342], %parallel_loop3A_339 {strides = array<i32>} : memref<1x4096xf32, #tpu.memory_space<vmem>>, vector<16xf32>,
      } {sc.loop_unroll_factor = 8 : i64, sc.parallel_access}
      %dma_start3A_192 = arith.constant 0 : i32
      %dma_start3A_193 = tpu.memref_slice %arg4[%add3A_179, %dma_start3A_192] : memref<4096x4096xf32, #tpu.memory_space<hbm>> -> memref<1x4096xf32, #tpu.memory_space<hbm>>
      %dma_start3A_194 = arith.constant 0 : i32
      %dma_start3A_195 = tpu.memref_slice %arg4[%add3A_179, %dma_start3A_194] : memref<4096x4096xf32, #tpu.memory_space<hbm>> -> memref<1x4096xf32, #tpu.memory_space<hbm>>
      tpu.enqueue_dma source(%arg17 : memref<1x4096xf32, #tpu.memory_space<vmem>>) target(%dma_start3A_195 : memref<1x4096xf32, #tpu.memory_space<hbm>>) target_semaphore(%arg33 : memref<!tpu.dma_semaphore, #tpu.memory_space<semaphore_mem>>)
      %add3A_196 = arith.constant 8 : i32
      %add3A_197 = arith.addi %add3A_176, %add3A_196 : i32
      %lt3A_198 = arith.constant 128 : i32
      %lt3A_199 = arith.cmpi slt, %add3A_197, %lt3A_198 : i32
      %convert_element_type3A_200 = arith.extui %lt3A_199 : i1 to i32
      %cond3A_201 = arith.constant 0 : i32
      %cond3A_202 = arith.cmpi ne, %convert_element_type3A_200, %cond3A_201 : i32
      scf.if %cond3A_202 {
        %add3A_323 = arith.constant 8 : i32
        %add3A_324 = arith.addi %add3A_176, %add3A_323 : i32
        %mul3A_325 = arith.constant 1 : i32
        %mul3A_326 = arith.muli %add3A_324, %mul3A_325 : i32
        %add3A_327 = arith.addi %mul3A_2, %mul3A_326 : i32
        %dma_start3A_328 = arith.constant 0 : i32
        %dma_start3A_329 = tpu.memref_slice %arg3[%add3A_327, %dma_start3A_328] : memref<4096x4096xi32, #tpu.memory_space<hbm>> -> memref<1x4096xi32, #tpu.memory_space<hbm>>
        %dma_start3A_330 = arith.constant 0 : i32
        %dma_start3A_331 = tpu.memref_slice %arg3[%add3A_327, %dma_start3A_330] : memref<4096x4096xi32, #tpu.memory_space<hbm>> -> memref<1x4096xi32, #tpu.memory_space<hbm>>
        tpu.enqueue_dma source(%dma_start3A_331 : memref<1x4096xi32, #tpu.memory_space<hbm>>) target(%arg9 : memref<1x4096xi32, #tpu.memory_space<vmem>>) target_semaphore(%arg25 : memref<!tpu.dma_semaphore, #tpu.memory_space<semaphore_mem>>)
      } else {
      }
      %mul3A_203 = arith.constant 8 : i32
      %mul3A_204 = arith.muli %scan3A_87, %mul3A_203 : i32
      %add3A_205 = arith.constant 4 : i32
      %add3A_206 = arith.addi %mul3A_204, %add3A_205 : i32
      %mul3A_207 = arith.constant 1 : i32
      %mul3A_208 = arith.muli %add3A_206, %mul3A_207 : i32
      %add3A_209 = arith.addi %mul3A_2, %mul3A_208 : i32
      %dma_wait3A_210 = arith.constant 0 : i32
      %dma_wait3A_211 = tpu.memref_slice %arg3[%add3A_209, %dma_wait3A_210] : memref<4096x4096xi32, #tpu.memory_space<hbm>> -> memref<1x4096xi32, #tpu.memory_space<hbm>>
      %dma_wait3A_212 = arith.constant 0 : i32
      %dma_wait3A_213 = tpu.memref_slice %arg3[%add3A_209, %dma_wait3A_212] : memref<4096x4096xi32, #tpu.memory_space<hbm>> -> memref<1x4096xi32, #tpu.memory_space<hbm>>
      tpu.wait_dma2 semaphore(%arg26 : memref<!tpu.dma_semaphore, #tpu.memory_space<semaphore_mem>>) src(%dma_wait3A_213 : memref<1x4096xi32, #tpu.memory_space<hbm>>) dst(%arg10 : memref<1x4096xi32, #tpu.memory_space<vmem>>)
      %gt3A_214 = arith.constant 0 : i32
      %gt3A_215 = arith.cmpi sgt, %scan3A_87, %gt3A_214 : i32
      %convert_element_type3A_216 = arith.extui %gt3A_215 : i1 to i32
      %cond3A_217 = arith.constant 0 : i32
      %cond3A_218 = arith.cmpi ne, %convert_element_type3A_216, %cond3A_217 : i32
      scf.if %cond3A_218 {
        %dma_wait3A_323 = arith.constant 0 : i32
        %dma_wait3A_324 = tpu.memref_slice %arg4[%add3A_209, %dma_wait3A_323] : memref<4096x4096xf32, #tpu.memory_space<hbm>> -> memref<1x4096xf32, #tpu.memory_space<hbm>>
        %dma_wait3A_325 = arith.constant 0 : i32
        %dma_wait3A_326 = tpu.memref_slice %arg4[%add3A_209, %dma_wait3A_325] : memref<4096x4096xf32, #tpu.memory_space<hbm>> -> memref<1x4096xf32, #tpu.memory_space<hbm>>
        tpu.wait_dma2 semaphore(%arg34 : memref<!tpu.dma_semaphore, #tpu.memory_space<semaphore_mem>>) src(%arg18 : memref<1x4096xf32, #tpu.memory_space<vmem>>) dst(%dma_wait3A_326 : memref<1x4096xf32, #tpu.memory_space<hbm>>)
      } else {
      }
      %parallel_loop3A_219 = arith.constant 0 : i32
      %parallel_loop3A_220 = arith.constant 256 : i32
      %parallel_loop3A_221 = arith.constant 1 : i32
      scf.for %parallel_loop3A_323 = %parallel_loop3A_219 to %parallel_loop3A_220 step %parallel_loop3A_221  : i32 {
        %parallel_loop3A_324 = arith.constant 16 : i32
        %parallel_loop3A_325 = arith.muli %parallel_loop3A_323, %parallel_loop3A_324 : i32
        %parallel_loop3A_326 = arith.constant 0 : i32
        %parallel_loop3A_327 = arith.index_cast %parallel_loop3A_326 : i32 to index
        %parallel_loop3A_328 = arith.index_cast %parallel_loop3A_325 : i32 to index
        %parallel_loop3A_329 = tpu.vector_load %arg10[%parallel_loop3A_327, %parallel_loop3A_328] {strides = array<i32>} : memref<1x4096xi32, #tpu.memory_space<vmem>>, vector<16xi32>,
        %parallel_loop3A_330 = arith.constant 0 : i32
        %parallel_loop3A_331 = vector.broadcast %parallel_loop3A_330 : i32 to vector<16xi32>
        %parallel_loop3A_332 = arith.cmpi slt, %parallel_loop3A_329, %parallel_loop3A_331 : vector<16xi32>
        %parallel_loop3A_333 = arith.constant 16 : i32
        %parallel_loop3A_334 = vector.broadcast %parallel_loop3A_333 : i32 to vector<16xi32>
        %parallel_loop3A_335 = arith.addi %parallel_loop3A_329, %parallel_loop3A_334 : vector<16xi32>
        %parallel_loop3A_336 = arith.select %parallel_loop3A_332, %parallel_loop3A_335, %parallel_loop3A_329 : vector<16xi1>, vector<16xi32>
        %parallel_loop3A_337 = vector.shape_cast %parallel_loop3A_336 : vector<16xi32> to vector<16x1xi32>
        %parallel_loop3A_338 = vector.shape_cast %parallel_loop3A_337 : vector<16x1xi32> to vector<16xi32>
        %parallel_loop3A_339 = tpu.dynamic_gather %get3A_3[%parallel_loop3A_338] in [0] : vector<16xf32>, vector<16xi32> -> vector<16xf32>
        %parallel_loop3A_340 = arith.constant 0 : i32
        %parallel_loop3A_341 = arith.index_cast %parallel_loop3A_340 : i32 to index
        %parallel_loop3A_342 = arith.index_cast %parallel_loop3A_325 : i32 to index
        %parallel_loop3A_343 = tpu.vector_load %arg18[%parallel_loop3A_341, %parallel_loop3A_342] {strides = array<i32>} : memref<1x4096xf32, #tpu.memory_space<vmem>>, vector<16xf32>,
        tpu.vector_store %arg18[%parallel_loop3A_341, %parallel_loop3A_342], %parallel_loop3A_339 {strides = array<i32>} : memref<1x4096xf32, #tpu.memory_space<vmem>>, vector<16xf32>,
      } {sc.loop_unroll_factor = 8 : i64, sc.parallel_access}
      %dma_start3A_222 = arith.constant 0 : i32
      %dma_start3A_223 = tpu.memref_slice %arg4[%add3A_209, %dma_start3A_222] : memref<4096x4096xf32, #tpu.memory_space<hbm>> -> memref<1x4096xf32, #tpu.memory_space<hbm>>
      %dma_start3A_224 = arith.constant 0 : i32
      %dma_start3A_225 = tpu.memref_slice %arg4[%add3A_209, %dma_start3A_224] : memref<4096x4096xf32, #tpu.memory_space<hbm>> -> memref<1x4096xf32, #tpu.memory_space<hbm>>
      tpu.enqueue_dma source(%arg18 : memref<1x4096xf32, #tpu.memory_space<vmem>>) target(%dma_start3A_225 : memref<1x4096xf32, #tpu.memory_space<hbm>>) target_semaphore(%arg34 : memref<!tpu.dma_semaphore, #tpu.memory_space<semaphore_mem>>)
      %add3A_226 = arith.constant 8 : i32
      %add3A_227 = arith.addi %add3A_206, %add3A_226 : i32
      %lt3A_228 = arith.constant 128 : i32
      %lt3A_229 = arith.cmpi slt, %add3A_227, %lt3A_228 : i32
      %convert_element_type3A_230 = arith.extui %lt3A_229 : i1 to i32
      %cond3A_231 = arith.constant 0 : i32
      %cond3A_232 = arith.cmpi ne, %convert_element_type3A_230, %cond3A_231 : i32
      scf.if %cond3A_232 {
        %add3A_323 = arith.constant 8 : i32
        %add3A_324 = arith.addi %add3A_206, %add3A_323 : i32
        %mul3A_325 = arith.constant 1 : i32
        %mul3A_326 = arith.muli %add3A_324, %mul3A_325 : i32
        %add3A_327 = arith.addi %mul3A_2, %mul3A_326 : i32
        %dma_start3A_328 = arith.constant 0 : i32
        %dma_start3A_329 = tpu.memref_slice %arg3[%add3A_327, %dma_start3A_328] : memref<4096x4096xi32, #tpu.memory_space<hbm>> -> memref<1x4096xi32, #tpu.memory_space<hbm>>
        %dma_start3A_330 = arith.constant 0 : i32
        %dma_start3A_331 = tpu.memref_slice %arg3[%add3A_327, %dma_start3A_330] : memref<4096x4096xi32, #tpu.memory_space<hbm>> -> memref<1x4096xi32, #tpu.memory_space<hbm>>
        tpu.enqueue_dma source(%dma_start3A_331 : memref<1x4096xi32, #tpu.memory_space<hbm>>) target(%arg10 : memref<1x4096xi32, #tpu.memory_space<vmem>>) target_semaphore(%arg26 : memref<!tpu.dma_semaphore, #tpu.memory_space<semaphore_mem>>)
      } else {
      }
      %mul3A_233 = arith.constant 8 : i32
      %mul3A_234 = arith.muli %scan3A_87, %mul3A_233 : i32
      %add3A_235 = arith.constant 5 : i32
      %add3A_236 = arith.addi %mul3A_234, %add3A_235 : i32
      %mul3A_237 = arith.constant 1 : i32
      %mul3A_238 = arith.muli %add3A_236, %mul3A_237 : i32
      %add3A_239 = arith.addi %mul3A_2, %mul3A_238 : i32
      %dma_wait3A_240 = arith.constant 0 : i32
      %dma_wait3A_241 = tpu.memref_slice %arg3[%add3A_239, %dma_wait3A_240] : memref<4096x4096xi32, #tpu.memory_space<hbm>> -> memref<1x4096xi32, #tpu.memory_space<hbm>>
      %dma_wait3A_242 = arith.constant 0 : i32
      %dma_wait3A_243 = tpu.memref_slice %arg3[%add3A_239, %dma_wait3A_242] : memref<4096x4096xi32, #tpu.memory_space<hbm>> -> memref<1x4096xi32, #tpu.memory_space<hbm>>
      tpu.wait_dma2 semaphore(%arg27 : memref<!tpu.dma_semaphore, #tpu.memory_space<semaphore_mem>>) src(%dma_wait3A_243 : memref<1x4096xi32, #tpu.memory_space<hbm>>) dst(%arg11 : memref<1x4096xi32, #tpu.memory_space<vmem>>)
      %gt3A_244 = arith.constant 0 : i32
      %gt3A_245 = arith.cmpi sgt, %scan3A_87, %gt3A_244 : i32
      %convert_element_type3A_246 = arith.extui %gt3A_245 : i1 to i32
      %cond3A_247 = arith.constant 0 : i32
      %cond3A_248 = arith.cmpi ne, %convert_element_type3A_246, %cond3A_247 : i32
      scf.if %cond3A_248 {
        %dma_wait3A_323 = arith.constant 0 : i32
        %dma_wait3A_324 = tpu.memref_slice %arg4[%add3A_239, %dma_wait3A_323] : memref<4096x4096xf32, #tpu.memory_space<hbm>> -> memref<1x4096xf32, #tpu.memory_space<hbm>>
        %dma_wait3A_325 = arith.constant 0 : i32
        %dma_wait3A_326 = tpu.memref_slice %arg4[%add3A_239, %dma_wait3A_325] : memref<4096x4096xf32, #tpu.memory_space<hbm>> -> memref<1x4096xf32, #tpu.memory_space<hbm>>
        tpu.wait_dma2 semaphore(%arg35 : memref<!tpu.dma_semaphore, #tpu.memory_space<semaphore_mem>>) src(%arg19 : memref<1x4096xf32, #tpu.memory_space<vmem>>) dst(%dma_wait3A_326 : memref<1x4096xf32, #tpu.memory_space<hbm>>)
      } else {
      }
      %parallel_loop3A_249 = arith.constant 0 : i32
      %parallel_loop3A_250 = arith.constant 256 : i32
      %parallel_loop3A_251 = arith.constant 1 : i32
      scf.for %parallel_loop3A_323 = %parallel_loop3A_249 to %parallel_loop3A_250 step %parallel_loop3A_251  : i32 {
        %parallel_loop3A_324 = arith.constant 16 : i32
        %parallel_loop3A_325 = arith.muli %parallel_loop3A_323, %parallel_loop3A_324 : i32
        %parallel_loop3A_326 = arith.constant 0 : i32
        %parallel_loop3A_327 = arith.index_cast %parallel_loop3A_326 : i32 to index
        %parallel_loop3A_328 = arith.index_cast %parallel_loop3A_325 : i32 to index
        %parallel_loop3A_329 = tpu.vector_load %arg11[%parallel_loop3A_327, %parallel_loop3A_328] {strides = array<i32>} : memref<1x4096xi32, #tpu.memory_space<vmem>>, vector<16xi32>,
        %parallel_loop3A_330 = arith.constant 0 : i32
        %parallel_loop3A_331 = vector.broadcast %parallel_loop3A_330 : i32 to vector<16xi32>
        %parallel_loop3A_332 = arith.cmpi slt, %parallel_loop3A_329, %parallel_loop3A_331 : vector<16xi32>
        %parallel_loop3A_333 = arith.constant 16 : i32
        %parallel_loop3A_334 = vector.broadcast %parallel_loop3A_333 : i32 to vector<16xi32>
        %parallel_loop3A_335 = arith.addi %parallel_loop3A_329, %parallel_loop3A_334 : vector<16xi32>
        %parallel_loop3A_336 = arith.select %parallel_loop3A_332, %parallel_loop3A_335, %parallel_loop3A_329 : vector<16xi1>, vector<16xi32>
        %parallel_loop3A_337 = vector.shape_cast %parallel_loop3A_336 : vector<16xi32> to vector<16x1xi32>
        %parallel_loop3A_338 = vector.shape_cast %parallel_loop3A_337 : vector<16x1xi32> to vector<16xi32>
        %parallel_loop3A_339 = tpu.dynamic_gather %get3A_3[%parallel_loop3A_338] in [0] : vector<16xf32>, vector<16xi32> -> vector<16xf32>
        %parallel_loop3A_340 = arith.constant 0 : i32
        %parallel_loop3A_341 = arith.index_cast %parallel_loop3A_340 : i32 to index
        %parallel_loop3A_342 = arith.index_cast %parallel_loop3A_325 : i32 to index
        %parallel_loop3A_343 = tpu.vector_load %arg19[%parallel_loop3A_341, %parallel_loop3A_342] {strides = array<i32>} : memref<1x4096xf32, #tpu.memory_space<vmem>>, vector<16xf32>,
        tpu.vector_store %arg19[%parallel_loop3A_341, %parallel_loop3A_342], %parallel_loop3A_339 {strides = array<i32>} : memref<1x4096xf32, #tpu.memory_space<vmem>>, vector<16xf32>,
      } {sc.loop_unroll_factor = 8 : i64, sc.parallel_access}
      %dma_start3A_252 = arith.constant 0 : i32
      %dma_start3A_253 = tpu.memref_slice %arg4[%add3A_239, %dma_start3A_252] : memref<4096x4096xf32, #tpu.memory_space<hbm>> -> memref<1x4096xf32, #tpu.memory_space<hbm>>
      %dma_start3A_254 = arith.constant 0 : i32
      %dma_start3A_255 = tpu.memref_slice %arg4[%add3A_239, %dma_start3A_254] : memref<4096x4096xf32, #tpu.memory_space<hbm>> -> memref<1x4096xf32, #tpu.memory_space<hbm>>
      tpu.enqueue_dma source(%arg19 : memref<1x4096xf32, #tpu.memory_space<vmem>>) target(%dma_start3A_255 : memref<1x4096xf32, #tpu.memory_space<hbm>>) target_semaphore(%arg35 : memref<!tpu.dma_semaphore, #tpu.memory_space<semaphore_mem>>)
      %add3A_256 = arith.constant 8 : i32
      %add3A_257 = arith.addi %add3A_236, %add3A_256 : i32
      %lt3A_258 = arith.constant 128 : i32
      %lt3A_259 = arith.cmpi slt, %add3A_257, %lt3A_258 : i32
      %convert_element_type3A_260 = arith.extui %lt3A_259 : i1 to i32
      %cond3A_261 = arith.constant 0 : i32
      %cond3A_262 = arith.cmpi ne, %convert_element_type3A_260, %cond3A_261 : i32
      scf.if %cond3A_262 {
        %add3A_323 = arith.constant 8 : i32
        %add3A_324 = arith.addi %add3A_236, %add3A_323 : i32
        %mul3A_325 = arith.constant 1 : i32
        %mul3A_326 = arith.muli %add3A_324, %mul3A_325 : i32
        %add3A_327 = arith.addi %mul3A_2, %mul3A_326 : i32
        %dma_start3A_328 = arith.constant 0 : i32
        %dma_start3A_329 = tpu.memref_slice %arg3[%add3A_327, %dma_start3A_328] : memref<4096x4096xi32, #tpu.memory_space<hbm>> -> memref<1x4096xi32, #tpu.memory_space<hbm>>
        %dma_start3A_330 = arith.constant 0 : i32
        %dma_start3A_331 = tpu.memref_slice %arg3[%add3A_327, %dma_start3A_330] : memref<4096x4096xi32, #tpu.memory_space<hbm>> -> memref<1x4096xi32, #tpu.memory_space<hbm>>
        tpu.enqueue_dma source(%dma_start3A_331 : memref<1x4096xi32, #tpu.memory_space<hbm>>) target(%arg11 : memref<1x4096xi32, #tpu.memory_space<vmem>>) target_semaphore(%arg27 : memref<!tpu.dma_semaphore, #tpu.memory_space<semaphore_mem>>)
      } else {
      }
      %mul3A_263 = arith.constant 8 : i32
      %mul3A_264 = arith.muli %scan3A_87, %mul3A_263 : i32
      %add3A_265 = arith.constant 6 : i32
      %add3A_266 = arith.addi %mul3A_264, %add3A_265 : i32
      %mul3A_267 = arith.constant 1 : i32
      %mul3A_268 = arith.muli %add3A_266, %mul3A_267 : i32
      %add3A_269 = arith.addi %mul3A_2, %mul3A_268 : i32
      %dma_wait3A_270 = arith.constant 0 : i32
      %dma_wait3A_271 = tpu.memref_slice %arg3[%add3A_269, %dma_wait3A_270] : memref<4096x4096xi32, #tpu.memory_space<hbm>> -> memref<1x4096xi32, #tpu.memory_space<hbm>>
      %dma_wait3A_272 = arith.constant 0 : i32
      %dma_wait3A_273 = tpu.memref_slice %arg3[%add3A_269, %dma_wait3A_272] : memref<4096x4096xi32, #tpu.memory_space<hbm>> -> memref<1x4096xi32, #tpu.memory_space<hbm>>
      tpu.wait_dma2 semaphore(%arg28 : memref<!tpu.dma_semaphore, #tpu.memory_space<semaphore_mem>>) src(%dma_wait3A_273 : memref<1x4096xi32, #tpu.memory_space<hbm>>) dst(%arg12 : memref<1x4096xi32, #tpu.memory_space<vmem>>)
      %gt3A_274 = arith.constant 0 : i32
      %gt3A_275 = arith.cmpi sgt, %scan3A_87, %gt3A_274 : i32
      %convert_element_type3A_276 = arith.extui %gt3A_275 : i1 to i32
      %cond3A_277 = arith.constant 0 : i32
      %cond3A_278 = arith.cmpi ne, %convert_element_type3A_276, %cond3A_277 : i32
      scf.if %cond3A_278 {
        %dma_wait3A_323 = arith.constant 0 : i32
        %dma_wait3A_324 = tpu.memref_slice %arg4[%add3A_269, %dma_wait3A_323] : memref<4096x4096xf32, #tpu.memory_space<hbm>> -> memref<1x4096xf32, #tpu.memory_space<hbm>>
        %dma_wait3A_325 = arith.constant 0 : i32
        %dma_wait3A_326 = tpu.memref_slice %arg4[%add3A_269, %dma_wait3A_325] : memref<4096x4096xf32, #tpu.memory_space<hbm>> -> memref<1x4096xf32, #tpu.memory_space<hbm>>
        tpu.wait_dma2 semaphore(%arg36 : memref<!tpu.dma_semaphore, #tpu.memory_space<semaphore_mem>>) src(%arg20 : memref<1x4096xf32, #tpu.memory_space<vmem>>) dst(%dma_wait3A_326 : memref<1x4096xf32, #tpu.memory_space<hbm>>)
      } else {
      }
      %parallel_loop3A_279 = arith.constant 0 : i32
      %parallel_loop3A_280 = arith.constant 256 : i32
      %parallel_loop3A_281 = arith.constant 1 : i32
      scf.for %parallel_loop3A_323 = %parallel_loop3A_279 to %parallel_loop3A_280 step %parallel_loop3A_281  : i32 {
        %parallel_loop3A_324 = arith.constant 16 : i32
        %parallel_loop3A_325 = arith.muli %parallel_loop3A_323, %parallel_loop3A_324 : i32
        %parallel_loop3A_326 = arith.constant 0 : i32
        %parallel_loop3A_327 = arith.index_cast %parallel_loop3A_326 : i32 to index
        %parallel_loop3A_328 = arith.index_cast %parallel_loop3A_325 : i32 to index
        %parallel_loop3A_329 = tpu.vector_load %arg12[%parallel_loop3A_327, %parallel_loop3A_328] {strides = array<i32>} : memref<1x4096xi32, #tpu.memory_space<vmem>>, vector<16xi32>,
        %parallel_loop3A_330 = arith.constant 0 : i32
        %parallel_loop3A_331 = vector.broadcast %parallel_loop3A_330 : i32 to vector<16xi32>
        %parallel_loop3A_332 = arith.cmpi slt, %parallel_loop3A_329, %parallel_loop3A_331 : vector<16xi32>
        %parallel_loop3A_333 = arith.constant 16 : i32
        %parallel_loop3A_334 = vector.broadcast %parallel_loop3A_333 : i32 to vector<16xi32>
        %parallel_loop3A_335 = arith.addi %parallel_loop3A_329, %parallel_loop3A_334 : vector<16xi32>
        %parallel_loop3A_336 = arith.select %parallel_loop3A_332, %parallel_loop3A_335, %parallel_loop3A_329 : vector<16xi1>, vector<16xi32>
        %parallel_loop3A_337 = vector.shape_cast %parallel_loop3A_336 : vector<16xi32> to vector<16x1xi32>
        %parallel_loop3A_338 = vector.shape_cast %parallel_loop3A_337 : vector<16x1xi32> to vector<16xi32>
        %parallel_loop3A_339 = tpu.dynamic_gather %get3A_3[%parallel_loop3A_338] in [0] : vector<16xf32>, vector<16xi32> -> vector<16xf32>
        %parallel_loop3A_340 = arith.constant 0 : i32
        %parallel_loop3A_341 = arith.index_cast %parallel_loop3A_340 : i32 to index
        %parallel_loop3A_342 = arith.index_cast %parallel_loop3A_325 : i32 to index
        %parallel_loop3A_343 = tpu.vector_load %arg20[%parallel_loop3A_341, %parallel_loop3A_342] {strides = array<i32>} : memref<1x4096xf32, #tpu.memory_space<vmem>>, vector<16xf32>,
        tpu.vector_store %arg20[%parallel_loop3A_341, %parallel_loop3A_342], %parallel_loop3A_339 {strides = array<i32>} : memref<1x4096xf32, #tpu.memory_space<vmem>>, vector<16xf32>,
      } {sc.loop_unroll_factor = 8 : i64, sc.parallel_access}
      %dma_start3A_282 = arith.constant 0 : i32
      %dma_start3A_283 = tpu.memref_slice %arg4[%add3A_269, %dma_start3A_282] : memref<4096x4096xf32, #tpu.memory_space<hbm>> -> memref<1x4096xf32, #tpu.memory_space<hbm>>
      %dma_start3A_284 = arith.constant 0 : i32
      %dma_start3A_285 = tpu.memref_slice %arg4[%add3A_269, %dma_start3A_284] : memref<4096x4096xf32, #tpu.memory_space<hbm>> -> memref<1x4096xf32, #tpu.memory_space<hbm>>
      tpu.enqueue_dma source(%arg20 : memref<1x4096xf32, #tpu.memory_space<vmem>>) target(%dma_start3A_285 : memref<1x4096xf32, #tpu.memory_space<hbm>>) target_semaphore(%arg36 : memref<!tpu.dma_semaphore, #tpu.memory_space<semaphore_mem>>)
      %add3A_286 = arith.constant 8 : i32
      %add3A_287 = arith.addi %add3A_266, %add3A_286 : i32
      %lt3A_288 = arith.constant 128 : i32
      %lt3A_289 = arith.cmpi slt, %add3A_287, %lt3A_288 : i32
      %convert_element_type3A_290 = arith.extui %lt3A_289 : i1 to i32
      %cond3A_291 = arith.constant 0 : i32
      %cond3A_292 = arith.cmpi ne, %convert_element_type3A_290, %cond3A_291 : i32
      scf.if %cond3A_292 {
        %add3A_323 = arith.constant 8 : i32
        %add3A_324 = arith.addi %add3A_266, %add3A_323 : i32
        %mul3A_325 = arith.constant 1 : i32
        %mul3A_326 = arith.muli %add3A_324, %mul3A_325 : i32
        %add3A_327 = arith.addi %mul3A_2, %mul3A_326 : i32
        %dma_start3A_328 = arith.constant 0 : i32
        %dma_start3A_329 = tpu.memref_slice %arg3[%add3A_327, %dma_start3A_328] : memref<4096x4096xi32, #tpu.memory_space<hbm>> -> memref<1x4096xi32, #tpu.memory_space<hbm>>
        %dma_start3A_330 = arith.constant 0 : i32
        %dma_start3A_331 = tpu.memref_slice %arg3[%add3A_327, %dma_start3A_330] : memref<4096x4096xi32, #tpu.memory_space<hbm>> -> memref<1x4096xi32, #tpu.memory_space<hbm>>
        tpu.enqueue_dma source(%dma_start3A_331 : memref<1x4096xi32, #tpu.memory_space<hbm>>) target(%arg12 : memref<1x4096xi32, #tpu.memory_space<vmem>>) target_semaphore(%arg28 : memref<!tpu.dma_semaphore, #tpu.memory_space<semaphore_mem>>)
      } else {
      }
      %mul3A_293 = arith.constant 8 : i32
      %mul3A_294 = arith.muli %scan3A_87, %mul3A_293 : i32
      %add3A_295 = arith.constant 7 : i32
      %add3A_296 = arith.addi %mul3A_294, %add3A_295 : i32
      %mul3A_297 = arith.constant 1 : i32
      %mul3A_298 = arith.muli %add3A_296, %mul3A_297 : i32
      %add3A_299 = arith.addi %mul3A_2, %mul3A_298 : i32
      %dma_wait3A_300 = arith.constant 0 : i32
      %dma_wait3A_301 = tpu.memref_slice %arg3[%add3A_299, %dma_wait3A_300] : memref<4096x4096xi32, #tpu.memory_space<hbm>> -> memref<1x4096xi32, #tpu.memory_space<hbm>>
      %dma_wait3A_302 = arith.constant 0 : i32
      %dma_wait3A_303 = tpu.memref_slice %arg3[%add3A_299, %dma_wait3A_302] : memref<4096x4096xi32, #tpu.memory_space<hbm>> -> memref<1x4096xi32, #tpu.memory_space<hbm>>
      tpu.wait_dma2 semaphore(%arg29 : memref<!tpu.dma_semaphore, #tpu.memory_space<semaphore_mem>>) src(%dma_wait3A_303 : memref<1x4096xi32, #tpu.memory_space<hbm>>) dst(%arg13 : memref<1x4096xi32, #tpu.memory_space<vmem>>)
      %gt3A_304 = arith.constant 0 : i32
      %gt3A_305 = arith.cmpi sgt, %scan3A_87, %gt3A_304 : i32
      %convert_element_type3A_306 = arith.extui %gt3A_305 : i1 to i32
      %cond3A_307 = arith.constant 0 : i32
      %cond3A_308 = arith.cmpi ne, %convert_element_type3A_306, %cond3A_307 : i32
      scf.if %cond3A_308 {
        %dma_wait3A_323 = arith.constant 0 : i32
        %dma_wait3A_324 = tpu.memref_slice %arg4[%add3A_299, %dma_wait3A_323] : memref<4096x4096xf32, #tpu.memory_space<hbm>> -> memref<1x4096xf32, #tpu.memory_space<hbm>>
        %dma_wait3A_325 = arith.constant 0 : i32
        %dma_wait3A_326 = tpu.memref_slice %arg4[%add3A_299, %dma_wait3A_325] : memref<4096x4096xf32, #tpu.memory_space<hbm>> -> memref<1x4096xf32, #tpu.memory_space<hbm>>
        tpu.wait_dma2 semaphore(%arg37 : memref<!tpu.dma_semaphore, #tpu.memory_space<semaphore_mem>>) src(%arg21 : memref<1x4096xf32, #tpu.memory_space<vmem>>) dst(%dma_wait3A_326 : memref<1x4096xf32, #tpu.memory_space<hbm>>)
      } else {
      }
      %parallel_loop3A_309 = arith.constant 0 : i32
      %parallel_loop3A_310 = arith.constant 256 : i32
      %parallel_loop3A_311 = arith.constant 1 : i32
      scf.for %parallel_loop3A_323 = %parallel_loop3A_309 to %parallel_loop3A_310 step %parallel_loop3A_311  : i32 {
        %parallel_loop3A_324 = arith.constant 16 : i32
        %parallel_loop3A_325 = arith.muli %parallel_loop3A_323, %parallel_loop3A_324 : i32
        %parallel_loop3A_326 = arith.constant 0 : i32
        %parallel_loop3A_327 = arith.index_cast %parallel_loop3A_326 : i32 to index
        %parallel_loop3A_328 = arith.index_cast %parallel_loop3A_325 : i32 to index
        %parallel_loop3A_329 = tpu.vector_load %arg13[%parallel_loop3A_327, %parallel_loop3A_328] {strides = array<i32>} : memref<1x4096xi32, #tpu.memory_space<vmem>>, vector<16xi32>,
        %parallel_loop3A_330 = arith.constant 0 : i32
        %parallel_loop3A_331 = vector.broadcast %parallel_loop3A_330 : i32 to vector<16xi32>
        %parallel_loop3A_332 = arith.cmpi slt, %parallel_loop3A_329, %parallel_loop3A_331 : vector<16xi32>
        %parallel_loop3A_333 = arith.constant 16 : i32
        %parallel_loop3A_334 = vector.broadcast %parallel_loop3A_333 : i32 to vector<16xi32>
        %parallel_loop3A_335 = arith.addi %parallel_loop3A_329, %parallel_loop3A_334 : vector<16xi32>
        %parallel_loop3A_336 = arith.select %parallel_loop3A_332, %parallel_loop3A_335, %parallel_loop3A_329 : vector<16xi1>, vector<16xi32>
        %parallel_loop3A_337 = vector.shape_cast %parallel_loop3A_336 : vector<16xi32> to vector<16x1xi32>
        %parallel_loop3A_338 = vector.shape_cast %parallel_loop3A_337 : vector<16x1xi32> to vector<16xi32>
        %parallel_loop3A_339 = tpu.dynamic_gather %get3A_3[%parallel_loop3A_338] in [0] : vector<16xf32>, vector<16xi32> -> vector<16xf32>
        %parallel_loop3A_340 = arith.constant 0 : i32
        %parallel_loop3A_341 = arith.index_cast %parallel_loop3A_340 : i32 to index
        %parallel_loop3A_342 = arith.index_cast %parallel_loop3A_325 : i32 to index
        %parallel_loop3A_343 = tpu.vector_load %arg21[%parallel_loop3A_341, %parallel_loop3A_342] {strides = array<i32>} : memref<1x4096xf32, #tpu.memory_space<vmem>>, vector<16xf32>,
        tpu.vector_store %arg21[%parallel_loop3A_341, %parallel_loop3A_342], %parallel_loop3A_339 {strides = array<i32>} : memref<1x4096xf32, #tpu.memory_space<vmem>>, vector<16xf32>,
      } {sc.loop_unroll_factor = 8 : i64, sc.parallel_access}
      %dma_start3A_312 = arith.constant 0 : i32
      %dma_start3A_313 = tpu.memref_slice %arg4[%add3A_299, %dma_start3A_312] : memref<4096x4096xf32, #tpu.memory_space<hbm>> -> memref<1x4096xf32, #tpu.memory_space<hbm>>
      %dma_start3A_314 = arith.constant 0 : i32
      %dma_start3A_315 = tpu.memref_slice %arg4[%add3A_299, %dma_start3A_314] : memref<4096x4096xf32, #tpu.memory_space<hbm>> -> memref<1x4096xf32, #tpu.memory_space<hbm>>
      tpu.enqueue_dma source(%arg21 : memref<1x4096xf32, #tpu.memory_space<vmem>>) target(%dma_start3A_315 : memref<1x4096xf32, #tpu.memory_space<hbm>>) target_semaphore(%arg37 : memref<!tpu.dma_semaphore, #tpu.memory_space<semaphore_mem>>)
      %add3A_316 = arith.constant 8 : i32
      %add3A_317 = arith.addi %add3A_296, %add3A_316 : i32
      %lt3A_318 = arith.constant 128 : i32
      %lt3A_319 = arith.cmpi slt, %add3A_317, %lt3A_318 : i32
      %convert_element_type3A_320 = arith.extui %lt3A_319 : i1 to i32
      %cond3A_321 = arith.constant 0 : i32
      %cond3A_322 = arith.cmpi ne, %convert_element_type3A_320, %cond3A_321 : i32
      scf.if %cond3A_322 {
        %add3A_323 = arith.constant 8 : i32
        %add3A_324 = arith.addi %add3A_296, %add3A_323 : i32
        %mul3A_325 = arith.constant 1 : i32
        %mul3A_326 = arith.muli %add3A_324, %mul3A_325 : i32
        %add3A_327 = arith.addi %mul3A_2, %mul3A_326 : i32
        %dma_start3A_328 = arith.constant 0 : i32
        %dma_start3A_329 = tpu.memref_slice %arg3[%add3A_327, %dma_start3A_328] : memref<4096x4096xi32, #tpu.memory_space<hbm>> -> memref<1x4096xi32, #tpu.memory_space<hbm>>
        %dma_start3A_330 = arith.constant 0 : i32
        %dma_start3A_331 = tpu.memref_slice %arg3[%add3A_327, %dma_start3A_330] : memref<4096x4096xi32, #tpu.memory_space<hbm>> -> memref<1x4096xi32, #tpu.memory_space<hbm>>
        tpu.enqueue_dma source(%dma_start3A_331 : memref<1x4096xi32, #tpu.memory_space<hbm>>) target(%arg13 : memref<1x4096xi32, #tpu.memory_space<vmem>>) target_semaphore(%arg29 : memref<!tpu.dma_semaphore, #tpu.memory_space<semaphore_mem>>)
      } else {
      }
    }
    %scan3A_55 = arith.constant 16 : i32
    %dma_wait3A = arith.constant 0 : i32
    %dma_wait3A_56 = tpu.memref_slice %arg4[%mul3A_2, %dma_wait3A] : memref<4096x4096xf32, #tpu.memory_space<hbm>> -> memref<1x4096xf32, #tpu.memory_space<hbm>>
    %dma_wait3A_57 = arith.constant 0 : i32
    %dma_wait3A_58 = tpu.memref_slice %arg4[%mul3A_2, %dma_wait3A_57] : memref<4096x4096xf32, #tpu.memory_space<hbm>> -> memref<1x4096xf32, #tpu.memory_space<hbm>>
    tpu.wait_dma2 semaphore(%arg30 : memref<!tpu.dma_semaphore, #tpu.memory_space<semaphore_mem>>) src(%arg14 : memref<1x4096xf32, #tpu.memory_space<vmem>>) dst(%dma_wait3A_58 : memref<1x4096xf32, #tpu.memory_space<hbm>>)
    %dma_wait3A_59 = arith.constant 0 : i32
    %dma_wait3A_60 = tpu.memref_slice %arg4[%mul3A_2, %dma_wait3A_59] : memref<4096x4096xf32, #tpu.memory_space<hbm>> -> memref<1x4096xf32, #tpu.memory_space<hbm>>
    %dma_wait3A_61 = arith.constant 0 : i32
    %dma_wait3A_62 = tpu.memref_slice %arg4[%mul3A_2, %dma_wait3A_61] : memref<4096x4096xf32, #tpu.memory_space<hbm>> -> memref<1x4096xf32, #tpu.memory_space<hbm>>
    tpu.wait_dma2 semaphore(%arg31 : memref<!tpu.dma_semaphore, #tpu.memory_space<semaphore_mem>>) src(%arg15 : memref<1x4096xf32, #tpu.memory_space<vmem>>) dst(%dma_wait3A_62 : memref<1x4096xf32, #tpu.memory_space<hbm>>)
    %dma_wait3A_63 = arith.constant 0 : i32
    %dma_wait3A_64 = tpu.memref_slice %arg4[%mul3A_2, %dma_wait3A_63] : memref<4096x4096xf32, #tpu.memory_space<hbm>> -> memref<1x4096xf32, #tpu.memory_space<hbm>>
    %dma_wait3A_65 = arith.constant 0 : i32
    %dma_wait3A_66 = tpu.memref_slice %arg4[%mul3A_2, %dma_wait3A_65] : memref<4096x4096xf32, #tpu.memory_space<hbm>> -> memref<1x4096xf32, #tpu.memory_space<hbm>>
    tpu.wait_dma2 semaphore(%arg32 : memref<!tpu.dma_semaphore, #tpu.memory_space<semaphore_mem>>) src(%arg16 : memref<1x4096xf32, #tpu.memory_space<vmem>>) dst(%dma_wait3A_66 : memref<1x4096xf32, #tpu.memory_space<hbm>>)
    %dma_wait3A_67 = arith.constant 0 : i32
    %dma_wait3A_68 = tpu.memref_slice %arg4[%mul3A_2, %dma_wait3A_67] : memref<4096x4096xf32, #tpu.memory_space<hbm>> -> memref<1x4096xf32, #tpu.memory_space<hbm>>
    %dma_wait3A_69 = arith.constant 0 : i32
    %dma_wait3A_70 = tpu.memref_slice %arg4[%mul3A_2, %dma_wait3A_69] : memref<4096x4096xf32, #tpu.memory_space<hbm>> -> memref<1x4096xf32, #tpu.memory_space<hbm>>
    tpu.wait_dma2 semaphore(%arg33 : memref<!tpu.dma_semaphore, #tpu.memory_space<semaphore_mem>>) src(%arg17 : memref<1x4096xf32, #tpu.memory_space<vmem>>) dst(%dma_wait3A_70 : memref<1x4096xf32, #tpu.memory_space<hbm>>)
    %dma_wait3A_71 = arith.constant 0 : i32
    %dma_wait3A_72 = tpu.memref_slice %arg4[%mul3A_2, %dma_wait3A_71] : memref<4096x4096xf32, #tpu.memory_space<hbm>> -> memref<1x4096xf32, #tpu.memory_space<hbm>>
    %dma_wait3A_73 = arith.constant 0 : i32
    %dma_wait3A_74 = tpu.memref_slice %arg4[%mul3A_2, %dma_wait3A_73] : memref<4096x4096xf32, #tpu.memory_space<hbm>> -> memref<1x4096xf32, #tpu.memory_space<hbm>>
    tpu.wait_dma2 semaphore(%arg34 : memref<!tpu.dma_semaphore, #tpu.memory_space<semaphore_mem>>) src(%arg18 : memref<1x4096xf32, #tpu.memory_space<vmem>>) dst(%dma_wait3A_74 : memref<1x4096xf32, #tpu.memory_space<hbm>>)
    %dma_wait3A_75 = arith.constant 0 : i32
    %dma_wait3A_76 = tpu.memref_slice %arg4[%mul3A_2, %dma_wait3A_75] : memref<4096x4096xf32, #tpu.memory_space<hbm>> -> memref<1x4096xf32, #tpu.memory_space<hbm>>
    %dma_wait3A_77 = arith.constant 0 : i32
    %dma_wait3A_78 = tpu.memref_slice %arg4[%mul3A_2, %dma_wait3A_77] : memref<4096x4096xf32, #tpu.memory_space<hbm>> -> memref<1x4096xf32, #tpu.memory_space<hbm>>
    tpu.wait_dma2 semaphore(%arg35 : memref<!tpu.dma_semaphore, #tpu.memory_space<semaphore_mem>>) src(%arg19 : memref<1x4096xf32, #tpu.memory_space<vmem>>) dst(%dma_wait3A_78 : memref<1x4096xf32, #tpu.memory_space<hbm>>)
    %dma_wait3A_79 = arith.constant 0 : i32
    %dma_wait3A_80 = tpu.memref_slice %arg4[%mul3A_2, %dma_wait3A_79] : memref<4096x4096xf32, #tpu.memory_space<hbm>> -> memref<1x4096xf32, #tpu.memory_space<hbm>>
    %dma_wait3A_81 = arith.constant 0 : i32
    %dma_wait3A_82 = tpu.memref_slice %arg4[%mul3A_2, %dma_wait3A_81] : memref<4096x4096xf32, #tpu.memory_space<hbm>> -> memref<1x4096xf32, #tpu.memory_space<hbm>>
    tpu.wait_dma2 semaphore(%arg36 : memref<!tpu.dma_semaphore, #tpu.memory_space<semaphore_mem>>) src(%arg20 : memref<1x4096xf32, #tpu.memory_space<vmem>>) dst(%dma_wait3A_82 : memref<1x4096xf32, #tpu.memory_space<hbm>>)
    %dma_wait3A_83 = arith.constant 0 : i32
    %dma_wait3A_84 = tpu.memref_slice %arg4[%mul3A_2, %dma_wait3A_83] : memref<4096x4096xf32, #tpu.memory_space<hbm>> -> memref<1x4096xf32, #tpu.memory_space<hbm>>
    %dma_wait3A_85 = arith.constant 0 : i32
    %dma_wait3A_86 = tpu.memref_slice %arg4[%mul3A_2, %dma_wait3A_85] : memref<4096x4096xf32, #tpu.memory_space<hbm>> -> memref<1x4096xf32, #tpu.memory_space<hbm>>
    tpu.wait_dma2 semaphore(%arg37 : memref<!tpu.dma_semaphore, #tpu.memory_space<semaphore_mem>>) src(%arg21 : memref<1x4096xf32, #tpu.memory_space<vmem>>) dst(%dma_wait3A_86 : memref<1x4096xf32, #tpu.memory_space<hbm>>)
    return
  }
}

</mosaic_0001>

<sc_bundles>
// kernel: kernel.3.cloned.1.call-start
scs
__scs_entry_jumppad:
0x0: {  	(pc) =	sbr.rel $0x88, $3  }
0x1: {  	(tag) =	ssettag $0x0;
	lr =	simm.s32 $0x1  }
0x2: {  	[smem:$0x3F9F] =	sst lr;
	_ =	strace $0xD0000000  }
0x3: {  	_ = 	snop  }
0x4: {  	_ = 	snop  }
0x5: {  	_ = 	snop  }
0x6: {  	_ = 	snop  }
0x7: {  	_ = 	snop  }
__scs_overlays_trampoline_lowered:
0x8: {  	[smem:$0x3FAE] =	sst s0  }
0x9: {  	[smem:$0x3FAF] =	sst s1  }
0xa: {  	[smem:$0x3FB0] =	sst s2  }
0xb: {  	[smem:$0x3FB1] =	sst s3  }
0xc: {  	[smem:$0x3FB2] =	sst s4  }
0xd: {  	[smem:$0x3FB3] =	sst s5  }
0xe: {  	[smem:$0x3FB4] =	sst s6  }
0xf: {  	[smem:$0x3FB5] =	sst s7  }
0x10: {  	[smem:$0x3FB6] =	sst s8  }
0x11: {  	[smem:$0x3FB7] =	sst s9;
	s0 =	simm.s32 @!p0 $0x0  }
0x12: {  	s1 =	sld [smem:$0x3F9D];
	s0 =	simm.s32 @p0 $0x1  }
0x13: {  	[smem:$0x3FB8] =	sst s0;
	s0 =	simm.s32 @!p1 $0x0  }
0x14: {  	s2 =	sld [smem:$0x3F9C];
	s0 =	simm.s32 @p1 $0x1  }
0x15: {  	[smem:$0x3FB9] =	sst s0;
	s0 =	simm.s32 @!p2 $0x0  }
0x16: {  	s3 =	sld [smem:$0x3FDB];
	s0 =	simm.s32 @p2 $0x1  }
0x17: {  	s4 =	simm.s32 $0x1BF5;
	[smem:$0x3FBB] =	sst s0  }
0x18: {  	s0 =	sld [smem:$0x3F9E];
	_ =	swait.ge [sflag:s4], $0x0  }
0x19: {  	s7 =	sld [smem:$0x3F9F]  }
0x1a: {  	s8 =	sadd.s32 $0xFFFFE003, lr  }
0x1b: {  	s9 =	sadd.s32 $0xFFFFFEF7, lr;
	s5 =	simm.s32 $0xFFFFFFFF;
	p2 =	slt.u32 s8, $0xFFFFF086  }
0x1c: {  	p1 =	slt.u32 s9, $0xF7A;
	s5 =	simm.s32 @!p2 $0x0  }
0x1d: {  	s5 =	simm.s32 @p1 $0x1;
	p0 =	seq.s32 s7, s2  }
0x1e: {  	s7 =	smul.u32 @!p0 $0xF7A, s2;
	p2 =	seq.s32 @!p0 s5, $0x0  }
0x1f: {  	s9 =	smul.u32 $0xF7A, s1;
	s8 =	simm.s32 @!p0 $0x1BF5;
	p2 =	por !p2, p0  }
0x20: {  	[sflag:s8] =	ssyncset.s32 @!p0 $0xFFFFF086;
	s6 =	sadd.s32 @!p0 s3, s7;
	s7 =	simm.s32 @!p0 $0x108  }
0x21: {  	s3 =	sadd.s32 s3, s9;
	s6 =	sadd.s32 @!p0 $0x88, s6;
	s7 =	simm.s32 @p2 $0x1082  }
0x22: {  	[simem:s7], [sflag:s8] =	dma.local @!p0 [hbm:s6], $0xF7A  }
0x23: {  	s9 =	sor.u32 $0xD0000000, s2;
	s6 =	simm.s32 $0x108;
	_ =	swait.ge @!p0 [sflag:s8], $0x0  }
0x24: {  	s3 =	sadd.s32 $0x88, s3;
	s6 =	simm.s32 @!p1 $0x1082;
	[sflag:s4] =	ssyncset.s32 $0xFFFFF086  }
0x25: {  	[simem:s6], [sflag:s4] =	dma.local [hbm:s3], $0xF7A  }
0x26: {  	[smem:$0x3F9F] =	sst s1;
	(tag) =	ssettag s2;
	_ =	strace s9  }
0x27: {  	s1 =	sld [smem:$0x3FAF]  }
0x28: {  	s2 =	sld [smem:$0x3FB0]  }
0x29: {  	s4 =	sld [smem:$0x3FB2]  }
0x2a: {  	p0 =	seq.s32 s5, $0x0;
	s5 =	sld [smem:$0x3FB3]  }
0x2b: {  	s6 =	sld [smem:$0x3FB4]  }
0x2c: {  	s7 =	sld [smem:$0x3FB5]  }
0x2d: {  	s3 =	simm.s32 $0x108;
	s8 =	sld [smem:$0x3FB6]  }
0x2e: {  	s3 =	simm.s32 @!p0 $0x1082;
	s9 =	sld [smem:$0x3FB7]  }
0x2f: {  	lr =	sadd.s32 s0, s3;
	s0 =	sld [smem:$0x3FAE]  }
0x30: {  	s3 =	sld [smem:$0x3FB1]  }
0x31: {  	[smem:$0x3FBA] =	sst s10  }
0x32: {  	s10 =	sld [smem:$0x3FB8];
	_ =	sdelay $0x3  }
0x33: {  	p0 =	seq.s32 s10, $0x1;
	s10 =	sld [smem:$0x3FBA];
	_ =	sdelay $0x3  }
0x34: {  	[smem:$0x3FBA] =	sst s10  }
0x35: {  	s10 =	sld [smem:$0x3FB9];
	_ =	sdelay $0x3  }
0x36: {  	p1 =	seq.s32 s10, $0x1;
	s10 =	sld [smem:$0x3FBA];
	_ =	sdelay $0x3  }
0x37: {  	[smem:$0x3FBA] =	sst s10  }
0x38: {  	s10 =	sld [smem:$0x3FBB]  }
0x39: {  	_ = 	snop;
	(pc) =	sbr.ind lr, $3  }
0x3a: {  	_ = 	snop  }
0x3b: {  	_ = 	snop  }
0x3c: {  	p2 =	seq.s32 s10, $0x1;
	s10 =	sld [smem:$0x3FBA]  }
0x3d: {  	_ =	shalt  }
0x3e: {  	_ =	shalt  }
0x3f: {  	_ =	shalt  }
0x40: {  	_ =	shalt  }
0x41: {  	_ =	shalt  }
0x42: {  	_ =	shalt  }
0x43: {  	_ =	shalt  }
0x44: {  	_ =	shalt  }
0x45: {  	_ =	shalt  }
0x46: {  	_ =	shalt  }
0x47: {  	_ =	shalt  }
0x48: {  	_ =	shalt  }
0x49: {  	_ =	shalt  }
0x4a: {  	_ =	shalt  }
0x4b: {  	_ =	shalt  }
0x4c: {  	_ =	shalt  }
0x4d: {  	_ =	shalt  }
0x4e: {  	_ =	shalt  }
0x4f: {  	_ =	shalt  }
0x50: {  	_ =	shalt  }
0x51: {  	_ =	shalt  }
0x52: {  	_ =	shalt  }
0x53: {  	_ =	shalt  }
0x54: {  	_ =	shalt  }
0x55: {  	_ =	shalt  }
0x56: {  	_ =	shalt  }
0x57: {  	_ =	shalt  }
0x58: {  	_ =	shalt  }
0x59: {  	_ =	shalt  }
0x5a: {  	_ =	shalt  }
0x5b: {  	_ =	shalt  }
0x5c: {  	_ =	shalt  }
0x5d: {  	_ =	shalt  }
0x5e: {  	_ =	shalt  }
0x5f: {  	_ =	shalt  }
0x60: {  	_ =	shalt  }
0x61: {  	_ =	shalt  }
0x62: {  	_ =	shalt  }
0x63: {  	_ =	shalt  }
0x64: {  	_ =	shalt  }
0x65: {  	_ =	shalt  }
0x66: {  	_ =	shalt  }
0x67: {  	_ =	shalt  }
0x68: {  	_ =	shalt  }
0x69: {  	_ =	shalt  }
0x6a: {  	_ =	shalt  }
0x6b: {  	_ =	shalt  }
0x6c: {  	_ =	shalt  }
0x6d: {  	_ =	shalt  }
0x6e: {  	_ =	shalt  }
0x6f: {  	_ =	shalt  }
0x70: {  	_ =	shalt  }
0x71: {  	_ =	shalt  }
0x72: {  	_ =	shalt  }
0x73: {  	_ =	shalt  }
0x74: {  	_ =	shalt  }
0x75: {  	_ =	shalt  }
0x76: {  	_ =	shalt  }
0x77: {  	_ =	shalt  }
0x78: {  	_ =	shalt  }
0x79: {  	_ =	shalt  }
0x7a: {  	_ =	shalt  }
0x7b: {  	_ =	shalt  }
0x7c: {  	_ =	shalt  }
0x7d: {  	_ =	shalt  }
0x7e: {  	_ =	shalt  }
0x7f: {  	_ =	shalt  }
0x80: {  	_ =	shalt  }
0x81: {  	_ =	shalt  }
0x82: {  	_ =	shalt  }
0x83: {  	_ =	shalt  }
0x84: {  	_ =	shalt  }
0x85: {  	_ =	shalt  }
0x86: {  	_ =	shalt  }
0x87: {  	_ =	shalt  }
.Lfunc_end0:
.L_simem_size_0:
called_computation_lowered:
.L_overlay_start_0:
0x88: {  	s2 =	sld [smem:$0x3FD9]  }
0x89: {  	s3 =	sld [smem:$0x3FFE];
	_ =	sdelay $0x1  }
0x8a: {  	s1 =	srdreg.scid  }
0x8b: {  	s0 =	sand.u32 $0x1, s1  }
0x8c: {  	s17 =	sshll.u32 s0, $0xA;
	s2 =	sadd.s32 s3, s2  }
0x8d: {  	s2 =	sadd.s32 s2, s17  }
0x8e: {  	[smem:$0x3FC6] =	sst s2  }
0x8f: {  	_ = 	snop  }
0x90: {  	s2 =	sld [smem:$0x3FC9]  }
0x91: {  	s18 =	sld [smem:$0x3FD0];
	(tm) =	ssettm $0x1  }
0x92: {  	s4 =	sld [smem:$0x3FFB];
	_ =	sdelay $0x3  }
0x93: {  	_ =	strace s4  }
0x94: {  	s4 =	sld [smem:$0x3FFC];
	_ =	sdelay $0x3  }
0x95: {  	_ =	strace s4  }
0x96: {  	s4 =	sld [smem:$0x3FFD];
	_ =	sdelay $0x3  }
0x97: {  	_ =	strace s4  }
0x98: {  	_ =	strace $0x8FFFFFFF  }
0x99: {  	s19 =	sld [smem:$0x3FDB];
	_ =	sdelay $0x1  }
0x9a: {  	s5 =	simm.s32 $_scs_section_size  }
0x9b: {  	s6 =	simm.s32 $_size__tile_overlayer_lowered;
	s7 =	simm.s32 $_tile_overlayer_lowered  }
0x9c: {  	s22 =	simm.s32 $0x1BFF;
	s21 =	sshll.u32 s7, $0x1;
	s4 =	sadd.s32 s5, s19  }
0x9d: {  	s8 =	simm.s32 $0x0;
	s20 =	sshll.u32 s6, $0x1;
	s6 =	sadd.s32 s21, s4  }
0x9e: {  	[timem:s8], [sflag:s22] =	dma.local [hbm:s6], s20  }
0x9f: {  	_ =	swait.ge [sflag:s22], s20  }
0xa0: {  	s5 =	ssub.s32 $0x0, s20;
	[sflag:s22] =	ssyncset.done $0x0  }
0xa1: {  	[sflag:s22] =	ssyncadd.s32 s5;
	_ =	sdelay $0x1  }
0xa2: {  	s23 =	simm.s32 $0x1B8B  }
0xa3: {  	_ =	swait.ge [sflag:s23], $0x1  }
0xa4: {  	[sflag:s23] =	ssyncset.done $0x0  }
0xa5: {  	s25 =	simm.s32 $0x1B8E;
	s24 =	sld [smem:$0x3FFE];
	[sflag:s23] =	ssyncadd.s32 $0xFFFFFFFF  }
0xa6: {  	s26 =	simm.s32 $execute0_lowered;
	[smem:$0x3FD2] =	sst s25  }
0xa7: {  	s6 =	sshll.u32 s26, $0x1;
	_ =	strace $0x80000046;
	[dreg:$0x1] =	wrdreg $0xFFFFFFFF  }
0xa8: {  	s28 =	simm.s32 $_size_execute0_lowered;
	s4 =	sadd.s32 s4, s6;
	[dreg:$0x0] =	wrdreg $0x0  }
0xa9: {  	s6 =	sshll.u32 s28, $0x1;
	[dreg:$0x2] =	wrdreg s4  }
0xaa: {  	[dreg:$0x3] =	wrdreg s6  }
0xab: {  	[dreg:$0x4] =	wrdreg $0xC0  }
0xac: {  	_ =	task [dreg:s8], $0x5FFFF  }
0xad: {  	[dreg:$0x1] =	wrdreg $0xFFFFFFFF  }
0xae: {  	[dreg:$0x0] =	wrdreg $0x60  }
0xaf: {  	[dreg:$0x2] =	wrdreg s24  }
0xb0: {  	[dreg:$0x3] =	wrdreg s2  }
0xb1: {  	[dreg:$0x4] =	wrdreg s18  }
0xb2: {  	[dreg:$0x5] =	wrdreg $0x9  }
0xb3: {  	_ =	task.clear_ibuf [dreg:s8], $0x6FFFF;
	_ =	strace $0x90000046  }
0xb4: {  	s29 =	simm.s32 $0x9;
	_ =	strace $0x80000048  }
0xb5: {  	_ =	swait.ge [sflag:s29], $0x1  }
0xb6: {  	[sflag:s29] =	ssyncadd.s32 $0xFFFFFFFF  }
0xb7: {  	_ =	strace $0x90000048  }
0xb8: {  	_ =	sfence  }
0xb9: {  	s30 =	sld [smem:$0x0];
	_ =	sdelay $0x2  }
0xba: {  	s31 =	sshll.u32 s1, $0xD;
	s1 =	sshrl.u32 s1, $0x2  }
0xbb: {  	s3 =	sand.u32 $0x4000, s31;
	s1 =	sadd.s32 s1, s30  }
0xbc: {  	s0 =	sor.u32 s3, s0;
	s1 =	sshll.u32 s1, $0x11  }
0xbd: {  	s0 =	sor.u32 s1, s0  }
0xbe: {  	s0 =	sadd.s32 $0x8F2B, s0  }
0xbf: {  	[sflag:s0] =	ssyncadd.remote.s32 $0x1  }
0xc0: {  	_ =	sfence.sel $0xFFFF  }
0xc1: {  	[dreg:$0x0] =	wrdreg $0xFFFFFFFF;
	(pc) =	sbr.abs _section_cstart, $3  }
0xc2: {  	[dreg:$0x1] =	wrdreg $0xFFFFFFFF  }
0xc3: {  	_ =	task.clear_ibuf [dreg:s8], $0x2FFFF;
	_ =	strace $0x9FFFFFFF  }
0xc4: {  	(tm) =	ssettm $0x7FFFFFFF  }
0xc5: {  	_ =	shalt  }
tec
execute0_lowered:
.L_overlay_start_1:
0x0: {  	(tag) =	ssettag $0x1  }
0x1: {  	s0 =	rddreg [dreg:$0x0]  }
0x2: {  	s4 =	rddreg [dreg:$0x1]  }
0x3: {  	s5 =	rddreg [dreg:$0x2];
	s1 =	srdreg.scid  }
0x4: {  	s3 =	simm.s32 $0x0;
	s2 =	stileid.u32;
	s7 =	simm.s32 $0xB  }
0x5: {  	s12 =	simm.s32 $0x4;
	s13 =	simm.s32 $0xC;
	s8 =	simm.s32 $0xD  }
0x6: {  	s11 =	simm.s32 $0x6;
	s14 =	simm.s32 $0xE;
	s9 =	simm.s32 $0x10  }
0x7: {  	s10 =	simm.s32 $0x0;
	[smem:$0x7FF] =	sst s3;
	s0 =	sadd.s32 $0x400, s0  }
0x8: {  	s18 =	sadd.s32 $0x10, s4;
	_ =	strace $0x80000047;
	[dreg:$0x4] =	wrdreg s0  }
0x9: {  	s1 =	sand.u32 $0x1, s1;
	s19 =	sadd.s32 $0x20, s4;
	[dreg:$0x6] =	wrdreg s18  }
0xa: {  	s2 =	sshll.u32 s2, $0x8;
	s6 =	sadd.s32 $0x30, s4;
	[dreg:$0x8] =	wrdreg s19  }
0xb: {  	s21 =	sadd.s32 $0x40, s4;
	s22 =	sadd.s32 $0x50, s4;
	[dreg:$0x9] =	wrdreg s6  }
0xc: {  	s23 =	sadd.s32 $0x60, s4;
	s25 =	sadd.s32 $0x70, s4;
	[dreg:$0xc] =	wrdreg s21  }
0xd: {  	s26 =	sadd.s32 $0x10, s5;
	s28 =	sadd.s32 $0x40, s5;
	[dreg:$0xe] =	wrdreg s22  }
0xe: {  	s29 =	sadd.s32 $0x50, s5;
	s30 =	sadd.s32 $0x60, s5;
	[dreg:$0xf] =	wrdreg s23  }
0xf: {  	s31 =	sadd.s32 $0x70, s5;
	s15 =	sshll.u32 s1, $0x7;
	[dreg:$0x12] =	wrdreg s25  }
0x10: {  	s1 =	ssub.s32 $0x2, s1;
	[dreg:$0x14] =	wrdreg s26;
	s3 =	sor.u32 s15, s2  }
0x11: {  	s26 =	sadd.s32 $0x30, s5;
	s16 =	sshrl.u32 s1, $0x1;
	s2 =	sshll.u32 s3, $0x9  }
0x12: {  	s0 =	ssub.s32 s1, s16;
	s17 =	sadd.s32 s4, s2;
	s1 =	sadd.s32 s2, s18  }
0x13: {  	s20 =	sadd.s32 s2, s6;
	s24 =	sadd.s32 s2, s23;
	[dreg:$0x5] =	wrdreg s17  }
0x14: {  	s23 =	smov.u32 s3;
	s0 =	smax.u32 s0, $0x1;
	[dreg:$0x7] =	wrdreg s1  }
0x15: {  	s4 =	simm.s32 $0x80;
	s6 =	simm.s32 $0x3;
	[dreg:$0xb] =	wrdreg s20  }
0x16: {  	s18 =	simm.s32 $0xF;
	s1 =	sadd.s32 s2, s19;
	[dreg:$0x11] =	wrdreg s24  }
0x17: {  	s24 =	sadd.s32 $0x20, s5;
	[dreg:$0x15] =	wrdreg s0;
	s19 =	simm.s32 $0x1  }
.Ltmp0:
0x18: {  	[dreg:$0xa] =	wrdreg s1;
	s1 =	sadd.s32 s2, s21;
	(pc) =	sbr.rel .LBB2_1-.Ltmp0, $4  }
0x19: {  	s0 =	simm.s32 $0xA;
	s17 =	simm.s32 $0x7;
	[dreg:$0xd] =	wrdreg s1  }
0x1a: {  	s1 =	sadd.s32 s2, s22;
	s22 =	sor.u32 $0x8, s3;
	s3 =	simm.s32 $0x5  }
0x1b: {  	[dreg:$0x10] =	wrdreg s1;
	s1 =	sadd.s32 s2, s25;
	s2 =	simm.s32 $0x400  }
0x1c: {  	s25 =	simm.s32 $0x2;
	[dreg:$0x13] =	wrdreg s1;
	s1 =	simm.s32 $0x8  }
.LBB2_48:
0x1d: {  	s5 =	simm.s32 $0x9  }
0x1e: {  	_ =	swait.ge [sflag:s5], $0x1000  }
0x1f: {  	[sflag:s5] =	ssyncset.done $0x0  }
0x20: {  	[sflag:s5] =	ssyncadd.s32 $0xFFFFF000  }
0x21: {  	_ =	swait.ge [sflag:s0], $0x1000  }
0x22: {  	[sflag:s0] =	ssyncset.done $0x0  }
0x23: {  	[sflag:s0] =	ssyncadd.s32 $0xFFFFF000  }
0x24: {  	_ =	swait.ge [sflag:s7], $0x1000  }
0x25: {  	[sflag:s7] =	ssyncset.done $0x0  }
0x26: {  	[sflag:s7] =	ssyncadd.s32 $0xFFFFF000  }
0x27: {  	_ =	swait.ge [sflag:s13], $0x1000  }
0x28: {  	[sflag:s13] =	ssyncset.done $0x0  }
0x29: {  	[sflag:s13] =	ssyncadd.s32 $0xFFFFF000  }
0x2a: {  	_ =	swait.ge [sflag:s8], $0x1000  }
0x2b: {  	[sflag:s8] =	ssyncset.done $0x0  }
0x2c: {  	[sflag:s8] =	ssyncadd.s32 $0xFFFFF000  }
0x2d: {  	_ =	swait.ge [sflag:s14], $0x1000  }
0x2e: {  	[sflag:s14] =	ssyncset.done $0x0  }
0x2f: {  	[sflag:s14] =	ssyncadd.s32 $0xFFFFF000  }
0x30: {  	_ =	swait.ge [sflag:s18], $0x1000  }
0x31: {  	[sflag:s18] =	ssyncset.done $0x0  }
0x32: {  	[sflag:s18] =	ssyncadd.s32 $0xFFFFF000  }
0x33: {  	_ =	swait.ge [sflag:s9], $0x1000  }
0x34: {  	s10 =	rddreg [dreg:$0x16]  }
0x35: {  	s21 =	rddreg [dreg:$0x15];
	s10 =	sadd.s32 $0x1, s10  }
0x36: {  	p0 =	sne.s32 s10, s21  }
.Ltmp1:
0x37: {  	_ = 	snop;
	(pc) =	sbr.rel @!p0 .LBB2_49-.Ltmp1, $3  }
0x38: {  	_ =	sdelay $0x1  }
0x39: {  	[sflag:s9] =	ssyncset.done $0x0  }
0x3a: {  	[sflag:s9] =	ssyncadd.s32 $0xFFFFF000  }
.LBB2_1:
0x3b: {  	[dreg:$0x16] =	wrdreg s10  }
0x3c: {  	s5 =	simm.s32 $0x0;
	s21 =	rddreg [dreg:$0x4];
	s15 =	simm.s32 $0x11  }
0x3d: {  	[tilespmem:s5], [sflag:$0x11] =	stream.linear.gather [hbm4b:s21+s5], $0x80, $0x38;
	[tilespmem:$0x10080] =	vst v63  }
0x3e: {  	_ =	swait.ge [sflag:s15], $0x80  }
0x3f: {  	[sflag:s15] =	ssyncset.done $0x0  }
0x40: {  	s16 =	rddreg [dreg:$0x5];
	[sflag:s15] =	ssyncadd.s32 $0xFFFFFF80  }
0x41: {  	v0 =	vld [tilespmem:$0x0];
	[tilespmem:s4], [sflag:$0x1] =	stream.strided.gather [hbm4b:s16+s4], $0x1000, s2, s4, $0x38  }
0x42: {  	s21 =	simm.s32 $0x1080;
	s20 =	rddreg [dreg:$0x7]  }
0x43: {  	[tilespmem:s21], [sflag:$0x2] =	stream.strided.gather [hbm4b:s20+s4], $0x1000, s2, s4, $0x38;
	[tilespmem:$0x10080] =	vst v63  }
0x44: {  	s15 =	rddreg [dreg:$0xa];
	s16 =	simm.s32 $0x2080  }
0x45: {  	[tilespmem:s16], [sflag:$0x3] =	stream.strided.gather [hbm4b:s15+s4], $0x1000, s2, s4, $0x38;
	[tilespmem:$0x10080] =	vst v63  }
0x46: {  	s20 =	rddreg [dreg:$0xb];
	s21 =	simm.s32 $0x3080  }
0x47: {  	[tilespmem:s21], [sflag:$0x4] =	stream.strided.gather [hbm4b:s20+s4], $0x1000, s2, s4, $0x38;
	[tilespmem:$0x10080] =	vst v63  }
0x48: {  	s15 =	rddreg [dreg:$0xd];
	s16 =	simm.s32 $0x4080  }
0x49: {  	[tilespmem:s16], [sflag:$0x5] =	stream.strided.gather [hbm4b:s15+s4], $0x1000, s2, s4, $0x38;
	[tilespmem:$0x10080] =	vst v63  }
0x4a: {  	s20 =	rddreg [dreg:$0x10];
	s21 =	simm.s32 $0x5080  }
0x4b: {  	[tilespmem:s21], [sflag:$0x6] =	stream.strided.gather [hbm4b:s20+s4], $0x1000, s2, s4, $0x38;
	[tilespmem:$0x10080] =	vst v63  }
0x4c: {  	s15 =	rddreg [dreg:$0x11];
	s16 =	simm.s32 $0x6080  }
0x4d: {  	[tilespmem:s16], [sflag:$0x7] =	stream.strided.gather [hbm4b:s15+s4], $0x1000, s2, s4, $0x38;
	[tilespmem:$0x10080] =	vst v63  }
0x4e: {  	s10 =	simm.s32 $0x0;
	s20 =	rddreg [dreg:$0x13];
	s21 =	simm.s32 $0x7080  }
0x4f: {  	[tilespmem:s21], [sflag:$0x8] =	stream.strided.gather [hbm4b:s20+s4], $0x1000, s2, s4, $0x38;
	[tilespmem:$0x10080] =	vst v63  }
.LBB2_2:
0x50: {  	_ =	swait.ge [sflag:s19], $0x1000  }
0x51: {  	p0 =	seq.s32 s10, $0x0;
	[sflag:s19] =	ssyncset.done $0x0  }
0x52: {  	s5 =	simm.s32 @!p0 $0x9;
	[sflag:s19] =	ssyncadd.s32 $0xFFFFF000  }
0x53: {  	_ =	swait.ge @!p0 [sflag:s5], $0x1000  }
0x54: {  	[sflag:s5] =	ssyncset.done @!p0 $0x0  }
0x55: {  	[sflag:s5] =	ssyncadd.s32 @!p0 $0xFFFFF000;
	s5 =	simm.s32 $0xC0  }
0x56: {  	v4 =	vld [tilespmem:s5+$0x30]  }
0x57: {  	v5 =	vld [tilespmem:s5+$0xFFFFFFD0]  }
0x58: {  	v7 =	vld [tilespmem:s5+$0xFFFFFFE0]  }
0x59: {  	v3 =	vld [tilespmem:s5+$0xFFFFFFF0]  }
0x5a: {  	v2 =	vld [tilespmem:s5+$0x0]  }
0x5b: {  	v1 =	vld [tilespmem:s5+$0x10];
	v8 =	vperm.xlane v0, v4  }
0x5c: {  	s16 =	sshll.u32 s10, $0x3;
	s15 =	simm.s32 $0x80C0;
	v4 =	vld [tilespmem:s5+$0x20];
	v6 =	vperm.xlane v0, v5  }
0x5d: {  	s20 =	simm.s32 $0x0;
	s21 =	sor.u32 s23, s16;
	v5 =	vld [tilespmem:s5+$0xFFFFFFC0];
	v7 =	vperm.xlane v0, v7;
	s5 =	simm.s32 $0x140;
	[tilespmem:s15+$0x30] =	vst v8  }
.LBB2_3:
0x5e: {  	v8 =	vld [tilespmem:s5+$0x30];
	s20 =	sadd.s32 $0x8, s20;
	[tilespmem:s15+$0xFFFFFFD0] =	vst v6;
	v3 =	vperm.xlane v0, v3  }
0x5f: {  	v6 =	vld [tilespmem:s5+$0xFFFFFFD0];
	p1 =	slt.u32 s20, $0xF8;
	[tilespmem:s15+$0xFFFFFFE0] =	vst v7;
	v2 =	vperm.xlane v0, v2  }
0x60: {  	v7 =	vld [tilespmem:s5+$0xFFFFFFE0];
	[tilespmem:s15+$0xFFFFFFF0] =	vst v3;
	v1 =	vperm.xlane v0, v1  }
.Ltmp2:
0x61: {  	v3 =	vld [tilespmem:s5+$0xFFFFFFF0];
	[tilespmem:s15+$0x0] =	vst v2;
	v4 =	vperm.xlane v0, v4;
	(pc) =	sbr.rel @p1 .LBB2_3-.Ltmp2, $4  }
0x62: {  	v2 =	vld [tilespmem:s5+$0x0];
	v5 =	vperm.xlane v0, v5;
	[tilespmem:s15+$0x10] =	vst v1  }
0x63: {  	v1 =	vld [tilespmem:s5+$0x10];
	v8 =	vperm.xlane v0, v8;
	[tilespmem:s15+$0x20] =	vst v4  }
0x64: {  	v6 =	vperm.xlane v0, v6;
	v4 =	vld [tilespmem:s5+$0x20];
	[tilespmem:s15+$0xFFFFFFC0] =	vst v5;
	s15 =	sadd.s32 $0x80, s15  }
0x65: {  	v5 =	vld [tilespmem:s5+$0xFFFFFFC0];
	v7 =	vperm.xlane v0, v7;
	[tilespmem:s15+$0x30] =	vst v8;
	s5 =	sadd.s32 $0x80, s5  }
0x66: {  	[tilespmem:s15+$0xFFFFFFD0] =	vst v6;
	v3 =	vperm.xlane v0, v3  }
0x67: {  	[tilespmem:s15+$0xFFFFFFE0] =	vst v7;
	v2 =	vperm.xlane v0, v2  }
0x68: {  	p1 =	sne.s32 s10, $0xF;
	[tilespmem:s15+$0xFFFFFFF0] =	vst v3;
	v1 =	vperm.xlane v0, v1  }
.Ltmp3:
0x69: {  	[tilespmem:s15+$0x0] =	vst v2;
	v2 =	vperm.xlane v0, v4;
	(pc) =	sbr.rel @p1 .LBB2_6-.Ltmp3, $4  }
0x6a: {  	v3 =	vperm.xlane v0, v5;
	[tilespmem:s15+$0x10] =	vst v1  }
0x6b: {  	s21 =	sshll.u32 s21, $0x9;
	s5 =	rddreg [dreg:$0x2];
	[tilespmem:s15+$0x20] =	vst v2  }
0x6c: {  	s20 =	simm.s32 $0x8080;
	s5 =	sadd.s32 s5, s21;
	[tilespmem:s15+$0xFFFFFFC0] =	vst v3  }
0x6d: {  	[hbm4b:s5+s4] =	stream.strided.scatter [tilespmem:s20], [sflag:$0x9], $0x1000, s2, s4, $0x38;
	[tilespmem:$0x10080] =	vst v63  }
.Ltmp4:
0x6e: {  	(pc) =	sbr.rel .LBB2_7-.Ltmp4, $4  }
0x6f: {  	_ = 	snop  }
0x70: {  	_ =	swait.ge [sflag:s25], $0x1000  }
0x71: {  	[sflag:s25] =	ssyncset.done $0x0  }
0x72: {  	[sflag:s25] =	ssyncadd.s32 $0xFFFFF000  }
.LBB2_6:
0x73: {  	s5 =	sadd.s32 s16, s22  }
0x74: {  	s15 =	rddreg [dreg:$0x1];
	s5 =	sshll.u32 s5, $0x9  }
.Ltmp5:
0x75: {  	s5 =	sadd.s32 s15, s5;
	(pc) =	sbr.rel @p0 .LBB2_8-.Ltmp5, $4  }
0x76: {  	[tilespmem:s4], [sflag:$0x1] =	stream.strided.gather [hbm4b:s5+s4], $0x1000, s2, s4, $0x38;
	[tilespmem:$0x10080] =	vst v63  }
0x77: {  	_ =	swait.ge [sflag:s25], $0x1000  }
0x78: {  	[sflag:s25] =	ssyncset.done $0x0  }
0x79: {  	[sflag:s25] =	ssyncadd.s32 $0xFFFFF000  }
.LBB2_7:
0x7a: {  	_ =	swait.ge [sflag:s0], $0x1000  }
0x7b: {  	[sflag:s0] =	ssyncset.done $0x0  }
0x7c: {  	[sflag:s0] =	ssyncadd.s32 $0xFFFFF000  }
.LBB2_8:
0x7d: {  	s5 =	simm.s32 $0x10C0  }
0x7e: {  	v3 =	vld [tilespmem:s5+$0x30]  }
0x7f: {  	v5 =	vld [tilespmem:s5+$0xFFFFFFD0]  }
0x80: {  	v7 =	vld [tilespmem:s5+$0xFFFFFFE0]  }
0x81: {  	v4 =	vld [tilespmem:s5+$0xFFFFFFF0]  }
0x82: {  	v2 =	vld [tilespmem:s5+$0x0]  }
0x83: {  	v1 =	vld [tilespmem:s5+$0x10];
	v8 =	vperm.xlane v0, v3  }
0x84: {  	s15 =	simm.s32 $0x90C0;
	v3 =	vld [tilespmem:s5+$0x20];
	v6 =	vperm.xlane v0, v5  }
0x85: {  	s20 =	simm.s32 $0x0;
	v5 =	vld [tilespmem:s5+$0xFFFFFFC0];
	v7 =	vperm.xlane v0, v7;
	s5 =	simm.s32 $0x1140;
	[tilespmem:s15+$0x30] =	vst v8  }
.LBB2_9:
0x86: {  	v8 =	vld [tilespmem:s5+$0x30];
	s20 =	sadd.s32 $0x8, s20;
	[tilespmem:s15+$0xFFFFFFD0] =	vst v6;
	v4 =	vperm.xlane v0, v4  }
0x87: {  	v6 =	vld [tilespmem:s5+$0xFFFFFFD0];
	p2 =	slt.u32 s20, $0xF8;
	[tilespmem:s15+$0xFFFFFFE0] =	vst v7;
	v2 =	vperm.xlane v0, v2  }
0x88: {  	v7 =	vld [tilespmem:s5+$0xFFFFFFE0];
	[tilespmem:s15+$0xFFFFFFF0] =	vst v4;
	v1 =	vperm.xlane v0, v1  }
.Ltmp6:
0x89: {  	v4 =	vld [tilespmem:s5+$0xFFFFFFF0];
	[tilespmem:s15+$0x0] =	vst v2;
	v3 =	vperm.xlane v0, v3;
	(pc) =	sbr.rel @p2 .LBB2_9-.Ltmp6, $4  }
0x8a: {  	v2 =	vld [tilespmem:s5+$0x0];
	v5 =	vperm.xlane v0, v5;
	[tilespmem:s15+$0x10] =	vst v1  }
0x8b: {  	v1 =	vld [tilespmem:s5+$0x10];
	v8 =	vperm.xlane v0, v8;
	[tilespmem:s15+$0x20] =	vst v3  }
0x8c: {  	v6 =	vperm.xlane v0, v6;
	v3 =	vld [tilespmem:s5+$0x20];
	[tilespmem:s15+$0xFFFFFFC0] =	vst v5;
	s15 =	sadd.s32 $0x80, s15  }
0x8d: {  	v5 =	vld [tilespmem:s5+$0xFFFFFFC0];
	v7 =	vperm.xlane v0, v7;
	[tilespmem:s15+$0x30] =	vst v8;
	s5 =	sadd.s32 $0x80, s5  }
0x8e: {  	[tilespmem:s15+$0xFFFFFFD0] =	vst v6;
	v4 =	vperm.xlane v0, v4  }
0x8f: {  	[tilespmem:s15+$0xFFFFFFE0] =	vst v7;
	v2 =	vperm.xlane v0, v2  }
0x90: {  	[tilespmem:s15+$0xFFFFFFF0] =	vst v4;
	v1 =	vperm.xlane v0, v1  }
0x91: {  	[tilespmem:s15+$0x0] =	vst v2;
	v2 =	vperm.xlane v0, v3  }
0x92: {  	v3 =	vperm.xlane v0, v5;
	[tilespmem:s15+$0x10] =	vst v1  }
.Ltmp7:
0x93: {  	[tilespmem:s15+$0x20] =	vst v2;
	(pc) =	sbr.rel @p1 .LBB2_12-.Ltmp7, $4  }
0x94: {  	[tilespmem:s15+$0xFFFFFFC0] =	vst v3  }
0x95: {  	s5 =	rddreg [dreg:$0x14]  }
0x96: {  	s20 =	simm.s32 $0x9080;
	s5 =	sadd.s32 s21, s5  }
0x97: {  	[hbm4b:s5+s4] =	stream.strided.scatter [tilespmem:s20], [sflag:$0xA], $0x1000, s2, s4, $0x38;
	[tilespmem:$0x10080] =	vst v63  }
.Ltmp8:
0x98: {  	(pc) =	sbr.rel .LBB2_13-.Ltmp8, $4  }
0x99: {  	_ = 	snop  }
0x9a: {  	_ =	swait.ge [sflag:s6], $0x1000  }
0x9b: {  	[sflag:s6] =	ssyncset.done $0x0  }
0x9c: {  	[sflag:s6] =	ssyncadd.s32 $0xFFFFF000  }
.LBB2_12:
0x9d: {  	s5 =	sadd.s32 s16, s22  }
0x9e: {  	s5 =	sshll.u32 s5, $0x9  }
0x9f: {  	s15 =	rddreg [dreg:$0x6];
	s5 =	sand.u32 $0x3FF000, s5  }
.Ltmp9:
0xa0: {  	s20 =	simm.s32 $0x1080;
	s5 =	sadd.s32 s5, s15;
	(pc) =	sbr.rel @p0 .LBB2_14-.Ltmp9, $4  }
0xa1: {  	[tilespmem:s20], [sflag:$0x2] =	stream.strided.gather [hbm4b:s5+s4], $0x1000, s2, s4, $0x38;
	[tilespmem:$0x10080] =	vst v63  }
0xa2: {  	_ =	swait.ge [sflag:s6], $0x1000  }
0xa3: {  	[sflag:s6] =	ssyncset.done $0x0  }
0xa4: {  	[sflag:s6] =	ssyncadd.s32 $0xFFFFF000  }
.LBB2_13:
0xa5: {  	_ =	swait.ge [sflag:s7], $0x1000  }
0xa6: {  	[sflag:s7] =	ssyncset.done $0x0  }
0xa7: {  	[sflag:s7] =	ssyncadd.s32 $0xFFFFF000  }
.LBB2_14:
0xa8: {  	s5 =	simm.s32 $0x20C0  }
0xa9: {  	v3 =	vld [tilespmem:s5+$0x30]  }
0xaa: {  	v5 =	vld [tilespmem:s5+$0xFFFFFFD0]  }
0xab: {  	v7 =	vld [tilespmem:s5+$0xFFFFFFE0]  }
0xac: {  	v4 =	vld [tilespmem:s5+$0xFFFFFFF0]  }
0xad: {  	v2 =	vld [tilespmem:s5+$0x0]  }
0xae: {  	v1 =	vld [tilespmem:s5+$0x10];
	v8 =	vperm.xlane v0, v3  }
0xaf: {  	s15 =	simm.s32 $0xA0C0;
	v3 =	vld [tilespmem:s5+$0x20];
	v6 =	vperm.xlane v0, v5  }
0xb0: {  	s20 =	simm.s32 $0x0;
	v5 =	vld [tilespmem:s5+$0xFFFFFFC0];
	v7 =	vperm.xlane v0, v7;
	s5 =	simm.s32 $0x2140;
	[tilespmem:s15+$0x30] =	vst v8  }
.LBB2_15:
0xb1: {  	v8 =	vld [tilespmem:s5+$0x30];
	s20 =	sadd.s32 $0x8, s20;
	[tilespmem:s15+$0xFFFFFFD0] =	vst v6;
	v4 =	vperm.xlane v0, v4  }
0xb2: {  	v6 =	vld [tilespmem:s5+$0xFFFFFFD0];
	p2 =	slt.u32 s20, $0xF8;
	[tilespmem:s15+$0xFFFFFFE0] =	vst v7;
	v2 =	vperm.xlane v0, v2  }
0xb3: {  	v7 =	vld [tilespmem:s5+$0xFFFFFFE0];
	[tilespmem:s15+$0xFFFFFFF0] =	vst v4;
	v1 =	vperm.xlane v0, v1  }
.Ltmp10:
0xb4: {  	v4 =	vld [tilespmem:s5+$0xFFFFFFF0];
	[tilespmem:s15+$0x0] =	vst v2;
	v3 =	vperm.xlane v0, v3;
	(pc) =	sbr.rel @p2 .LBB2_15-.Ltmp10, $4  }
0xb5: {  	v2 =	vld [tilespmem:s5+$0x0];
	v5 =	vperm.xlane v0, v5;
	[tilespmem:s15+$0x10] =	vst v1  }
0xb6: {  	v1 =	vld [tilespmem:s5+$0x10];
	v8 =	vperm.xlane v0, v8;
	[tilespmem:s15+$0x20] =	vst v3  }
0xb7: {  	v6 =	vperm.xlane v0, v6;
	v3 =	vld [tilespmem:s5+$0x20];
	[tilespmem:s15+$0xFFFFFFC0] =	vst v5;
	s15 =	sadd.s32 $0x80, s15  }
0xb8: {  	v5 =	vld [tilespmem:s5+$0xFFFFFFC0];
	v7 =	vperm.xlane v0, v7;
	[tilespmem:s15+$0x30] =	vst v8;
	s5 =	sadd.s32 $0x80, s5  }
0xb9: {  	[tilespmem:s15+$0xFFFFFFD0] =	vst v6;
	v4 =	vperm.xlane v0, v4  }
0xba: {  	[tilespmem:s15+$0xFFFFFFE0] =	vst v7;
	v2 =	vperm.xlane v0, v2  }
0xbb: {  	[tilespmem:s15+$0xFFFFFFF0] =	vst v4;
	v1 =	vperm.xlane v0, v1  }
.Ltmp11:
0xbc: {  	[tilespmem:s15+$0x0] =	vst v2;
	v2 =	vperm.xlane v0, v3;
	(pc) =	sbr.rel @p1 .LBB2_18-.Ltmp11, $4  }
0xbd: {  	v3 =	vperm.xlane v0, v5;
	[tilespmem:s15+$0x10] =	vst v1  }
0xbe: {  	[tilespmem:s15+$0x20] =	vst v2  }
0xbf: {  	s5 =	sadd.s32 s21, s24;
	s20 =	simm.s32 $0xA080;
	[tilespmem:s15+$0xFFFFFFC0] =	vst v3  }
0xc0: {  	[hbm4b:s5+s4] =	stream.strided.scatter [tilespmem:s20], [sflag:$0xB], $0x1000, s2, s4, $0x38;
	[tilespmem:$0x10080] =	vst v63  }
.Ltmp12:
0xc1: {  	(pc) =	sbr.rel .LBB2_19-.Ltmp12, $4  }
0xc2: {  	_ = 	snop  }
0xc3: {  	_ =	swait.ge [sflag:s12], $0x1000  }
0xc4: {  	[sflag:s12] =	ssyncset.done $0x0  }
0xc5: {  	[sflag:s12] =	ssyncadd.s32 $0xFFFFF000  }
.LBB2_18:
0xc6: {  	s5 =	sadd.s32 s16, s22  }
0xc7: {  	s5 =	sshll.u32 s5, $0x9  }
0xc8: {  	s15 =	rddreg [dreg:$0x8];
	s5 =	sand.u32 $0x3FF000, s5  }
.Ltmp13:
0xc9: {  	s20 =	simm.s32 $0x2080;
	s5 =	sadd.s32 s5, s15;
	(pc) =	sbr.rel @p0 .LBB2_20-.Ltmp13, $4  }
0xca: {  	[tilespmem:s20], [sflag:$0x3] =	stream.strided.gather [hbm4b:s5+s4], $0x1000, s2, s4, $0x38;
	[tilespmem:$0x10080] =	vst v63  }
0xcb: {  	_ =	swait.ge [sflag:s12], $0x1000  }
0xcc: {  	[sflag:s12] =	ssyncset.done $0x0  }
0xcd: {  	[sflag:s12] =	ssyncadd.s32 $0xFFFFF000  }
.LBB2_19:
0xce: {  	_ =	swait.ge [sflag:s13], $0x1000  }
0xcf: {  	[sflag:s13] =	ssyncset.done $0x0  }
0xd0: {  	[sflag:s13] =	ssyncadd.s32 $0xFFFFF000  }
.LBB2_20:
0xd1: {  	s5 =	simm.s32 $0x30C0  }
0xd2: {  	v3 =	vld [tilespmem:s5+$0x30]  }
0xd3: {  	v5 =	vld [tilespmem:s5+$0xFFFFFFD0]  }
0xd4: {  	v7 =	vld [tilespmem:s5+$0xFFFFFFE0]  }
0xd5: {  	v4 =	vld [tilespmem:s5+$0xFFFFFFF0]  }
0xd6: {  	v2 =	vld [tilespmem:s5+$0x0]  }
0xd7: {  	v1 =	vld [tilespmem:s5+$0x10];
	v8 =	vperm.xlane v0, v3  }
0xd8: {  	s15 =	simm.s32 $0xB0C0;
	v3 =	vld [tilespmem:s5+$0x20];
	v6 =	vperm.xlane v0, v5  }
0xd9: {  	s20 =	simm.s32 $0x0;
	v5 =	vld [tilespmem:s5+$0xFFFFFFC0];
	v7 =	vperm.xlane v0, v7;
	s5 =	simm.s32 $0x3140;
	[tilespmem:s15+$0x30] =	vst v8  }
.LBB2_21:
0xda: {  	v8 =	vld [tilespmem:s5+$0x30];
	s20 =	sadd.s32 $0x8, s20;
	[tilespmem:s15+$0xFFFFFFD0] =	vst v6;
	v4 =	vperm.xlane v0, v4  }
0xdb: {  	v6 =	vld [tilespmem:s5+$0xFFFFFFD0];
	p2 =	slt.u32 s20, $0xF8;
	[tilespmem:s15+$0xFFFFFFE0] =	vst v7;
	v2 =	vperm.xlane v0, v2  }
0xdc: {  	v7 =	vld [tilespmem:s5+$0xFFFFFFE0];
	[tilespmem:s15+$0xFFFFFFF0] =	vst v4;
	v1 =	vperm.xlane v0, v1  }
.Ltmp14:
0xdd: {  	v4 =	vld [tilespmem:s5+$0xFFFFFFF0];
	[tilespmem:s15+$0x0] =	vst v2;
	v3 =	vperm.xlane v0, v3;
	(pc) =	sbr.rel @p2 .LBB2_21-.Ltmp14, $4  }
0xde: {  	v2 =	vld [tilespmem:s5+$0x0];
	v5 =	vperm.xlane v0, v5;
	[tilespmem:s15+$0x10] =	vst v1  }
0xdf: {  	v1 =	vld [tilespmem:s5+$0x10];
	v8 =	vperm.xlane v0, v8;
	[tilespmem:s15+$0x20] =	vst v3  }
0xe0: {  	v6 =	vperm.xlane v0, v6;
	v3 =	vld [tilespmem:s5+$0x20];
	[tilespmem:s15+$0xFFFFFFC0] =	vst v5;
	s15 =	sadd.s32 $0x80, s15  }
0xe1: {  	v5 =	vld [tilespmem:s5+$0xFFFFFFC0];
	v7 =	vperm.xlane v0, v7;
	[tilespmem:s15+$0x30] =	vst v8;
	s5 =	sadd.s32 $0x80, s5  }
0xe2: {  	[tilespmem:s15+$0xFFFFFFD0] =	vst v6;
	v4 =	vperm.xlane v0, v4  }
0xe3: {  	[tilespmem:s15+$0xFFFFFFE0] =	vst v7;
	v2 =	vperm.xlane v0, v2  }
0xe4: {  	[tilespmem:s15+$0xFFFFFFF0] =	vst v4;
	v1 =	vperm.xlane v0, v1  }
.Ltmp15:
0xe5: {  	[tilespmem:s15+$0x0] =	vst v2;
	v2 =	vperm.xlane v0, v3;
	(pc) =	sbr.rel @p1 .LBB2_24-.Ltmp15, $4  }
0xe6: {  	v3 =	vperm.xlane v0, v5;
	[tilespmem:s15+$0x10] =	vst v1  }
0xe7: {  	[tilespmem:s15+$0x20] =	vst v2  }
0xe8: {  	s5 =	sadd.s32 s21, s26;
	s20 =	simm.s32 $0xB080;
	[tilespmem:s15+$0xFFFFFFC0] =	vst v3  }
0xe9: {  	[hbm4b:s5+s4] =	stream.strided.scatter [tilespmem:s20], [sflag:$0xC], $0x1000, s2, s4, $0x38;
	[tilespmem:$0x10080] =	vst v63  }
.Ltmp16:
0xea: {  	(pc) =	sbr.rel .LBB2_25-.Ltmp16, $4  }
0xeb: {  	_ = 	snop  }
0xec: {  	_ =	swait.ge [sflag:s3], $0x1000  }
0xed: {  	[sflag:s3] =	ssyncset.done $0x0  }
0xee: {  	[sflag:s3] =	ssyncadd.s32 $0xFFFFF000  }
.LBB2_24:
0xef: {  	s5 =	sadd.s32 s16, s22  }
0xf0: {  	s5 =	sshll.u32 s5, $0x9  }
0xf1: {  	s15 =	rddreg [dreg:$0x9];
	s5 =	sand.u32 $0x3FF000, s5  }
.Ltmp17:
0xf2: {  	s20 =	simm.s32 $0x3080;
	s5 =	sadd.s32 s5, s15;
	(pc) =	sbr.rel @p0 .LBB2_26-.Ltmp17, $4  }
0xf3: {  	[tilespmem:s20], [sflag:$0x4] =	stream.strided.gather [hbm4b:s5+s4], $0x1000, s2, s4, $0x38;
	[tilespmem:$0x10080] =	vst v63  }
0xf4: {  	_ =	swait.ge [sflag:s3], $0x1000  }
0xf5: {  	[sflag:s3] =	ssyncset.done $0x0  }
0xf6: {  	[sflag:s3] =	ssyncadd.s32 $0xFFFFF000  }
.LBB2_25:
0xf7: {  	_ =	swait.ge [sflag:s8], $0x1000  }
0xf8: {  	[sflag:s8] =	ssyncset.done $0x0  }
0xf9: {  	[sflag:s8] =	ssyncadd.s32 $0xFFFFF000  }
.LBB2_26:
0xfa: {  	s5 =	simm.s32 $0x40C0  }
0xfb: {  	v3 =	vld [tilespmem:s5+$0x30]  }
0xfc: {  	v5 =	vld [tilespmem:s5+$0xFFFFFFD0]  }
0xfd: {  	v7 =	vld [tilespmem:s5+$0xFFFFFFE0]  }
0xfe: {  	v4 =	vld [tilespmem:s5+$0xFFFFFFF0]  }
0xff: {  	v2 =	vld [tilespmem:s5+$0x0]  }
0x100: {  	v1 =	vld [tilespmem:s5+$0x10];
	v8 =	vperm.xlane v0, v3  }
0x101: {  	s15 =	simm.s32 $0xC0C0;
	v3 =	vld [tilespmem:s5+$0x20];
	v6 =	vperm.xlane v0, v5  }
0x102: {  	s20 =	simm.s32 $0x0;
	v5 =	vld [tilespmem:s5+$0xFFFFFFC0];
	v7 =	vperm.xlane v0, v7;
	s5 =	simm.s32 $0x4140;
	[tilespmem:s15+$0x30] =	vst v8  }
.LBB2_27:
0x103: {  	v8 =	vld [tilespmem:s5+$0x30];
	s20 =	sadd.s32 $0x8, s20;
	[tilespmem:s15+$0xFFFFFFD0] =	vst v6;
	v4 =	vperm.xlane v0, v4  }
0x104: {  	v6 =	vld [tilespmem:s5+$0xFFFFFFD0];
	p2 =	slt.u32 s20, $0xF8;
	[tilespmem:s15+$0xFFFFFFE0] =	vst v7;
	v2 =	vperm.xlane v0, v2  }
0x105: {  	v7 =	vld [tilespmem:s5+$0xFFFFFFE0];
	[tilespmem:s15+$0xFFFFFFF0] =	vst v4;
	v1 =	vperm.xlane v0, v1  }
.Ltmp18:
0x106: {  	v4 =	vld [tilespmem:s5+$0xFFFFFFF0];
	[tilespmem:s15+$0x0] =	vst v2;
	v3 =	vperm.xlane v0, v3;
	(pc) =	sbr.rel @p2 .LBB2_27-.Ltmp18, $4  }
0x107: {  	v2 =	vld [tilespmem:s5+$0x0];
	v5 =	vperm.xlane v0, v5;
	[tilespmem:s15+$0x10] =	vst v1  }
0x108: {  	v1 =	vld [tilespmem:s5+$0x10];
	v8 =	vperm.xlane v0, v8;
	[tilespmem:s15+$0x20] =	vst v3  }
0x109: {  	v6 =	vperm.xlane v0, v6;
	v3 =	vld [tilespmem:s5+$0x20];
	[tilespmem:s15+$0xFFFFFFC0] =	vst v5;
	s15 =	sadd.s32 $0x80, s15  }
0x10a: {  	v5 =	vld [tilespmem:s5+$0xFFFFFFC0];
	v7 =	vperm.xlane v0, v7;
	[tilespmem:s15+$0x30] =	vst v8;
	s5 =	sadd.s32 $0x80, s5  }
0x10b: {  	[tilespmem:s15+$0xFFFFFFD0] =	vst v6;
	v4 =	vperm.xlane v0, v4  }
0x10c: {  	[tilespmem:s15+$0xFFFFFFE0] =	vst v7;
	v2 =	vperm.xlane v0, v2  }
0x10d: {  	[tilespmem:s15+$0xFFFFFFF0] =	vst v4;
	v1 =	vperm.xlane v0, v1  }
.Ltmp19:
0x10e: {  	[tilespmem:s15+$0x0] =	vst v2;
	v2 =	vperm.xlane v0, v3;
	(pc) =	sbr.rel @p1 .LBB2_30-.Ltmp19, $4  }
0x10f: {  	v3 =	vperm.xlane v0, v5;
	[tilespmem:s15+$0x10] =	vst v1  }
0x110: {  	[tilespmem:s15+$0x20] =	vst v2  }
0x111: {  	s5 =	sadd.s32 s21, s28;
	s20 =	simm.s32 $0xC080;
	[tilespmem:s15+$0xFFFFFFC0] =	vst v3  }
0x112: {  	[hbm4b:s5+s4] =	stream.strided.scatter [tilespmem:s20], [sflag:$0xD], $0x1000, s2, s4, $0x38;
	[tilespmem:$0x10080] =	vst v63  }
.Ltmp20:
0x113: {  	(pc) =	sbr.rel .LBB2_31-.Ltmp20, $4  }
0x114: {  	_ = 	snop  }
0x115: {  	_ =	swait.ge [sflag:s11], $0x1000  }
0x116: {  	[sflag:s11] =	ssyncset.done $0x0  }
0x117: {  	[sflag:s11] =	ssyncadd.s32 $0xFFFFF000  }
.LBB2_30:
0x118: {  	s5 =	sadd.s32 s16, s22  }
0x119: {  	s5 =	sshll.u32 s5, $0x9  }
0x11a: {  	s15 =	rddreg [dreg:$0xc];
	s5 =	sand.u32 $0x3FF000, s5  }
.Ltmp21:
0x11b: {  	s20 =	simm.s32 $0x4080;
	s5 =	sadd.s32 s5, s15;
	(pc) =	sbr.rel @p0 .LBB2_32-.Ltmp21, $4  }
0x11c: {  	[tilespmem:s20], [sflag:$0x5] =	stream.strided.gather [hbm4b:s5+s4], $0x1000, s2, s4, $0x38;
	[tilespmem:$0x10080] =	vst v63  }
0x11d: {  	_ =	swait.ge [sflag:s11], $0x1000  }
0x11e: {  	[sflag:s11] =	ssyncset.done $0x0  }
0x11f: {  	[sflag:s11] =	ssyncadd.s32 $0xFFFFF000  }
.LBB2_31:
0x120: {  	_ =	swait.ge [sflag:s14], $0x1000  }
0x121: {  	[sflag:s14] =	ssyncset.done $0x0  }
0x122: {  	[sflag:s14] =	ssyncadd.s32 $0xFFFFF000  }
.LBB2_32:
0x123: {  	s5 =	simm.s32 $0x50C0  }
0x124: {  	v3 =	vld [tilespmem:s5+$0x30]  }
0x125: {  	v5 =	vld [tilespmem:s5+$0xFFFFFFD0]  }
0x126: {  	v7 =	vld [tilespmem:s5+$0xFFFFFFE0]  }
0x127: {  	v4 =	vld [tilespmem:s5+$0xFFFFFFF0]  }
0x128: {  	v2 =	vld [tilespmem:s5+$0x0]  }
0x129: {  	v1 =	vld [tilespmem:s5+$0x10];
	v8 =	vperm.xlane v0, v3  }
0x12a: {  	s15 =	simm.s32 $0xD0C0;
	v3 =	vld [tilespmem:s5+$0x20];
	v6 =	vperm.xlane v0, v5  }
0x12b: {  	s20 =	simm.s32 $0x0;
	v5 =	vld [tilespmem:s5+$0xFFFFFFC0];
	v7 =	vperm.xlane v0, v7;
	s5 =	simm.s32 $0x5140;
	[tilespmem:s15+$0x30] =	vst v8  }
.LBB2_33:
0x12c: {  	v8 =	vld [tilespmem:s5+$0x30];
	s20 =	sadd.s32 $0x8, s20;
	[tilespmem:s15+$0xFFFFFFD0] =	vst v6;
	v4 =	vperm.xlane v0, v4  }
0x12d: {  	v6 =	vld [tilespmem:s5+$0xFFFFFFD0];
	p2 =	slt.u32 s20, $0xF8;
	[tilespmem:s15+$0xFFFFFFE0] =	vst v7;
	v2 =	vperm.xlane v0, v2  }
0x12e: {  	v7 =	vld [tilespmem:s5+$0xFFFFFFE0];
	[tilespmem:s15+$0xFFFFFFF0] =	vst v4;
	v1 =	vperm.xlane v0, v1  }
.Ltmp22:
0x12f: {  	v4 =	vld [tilespmem:s5+$0xFFFFFFF0];
	[tilespmem:s15+$0x0] =	vst v2;
	v3 =	vperm.xlane v0, v3;
	(pc) =	sbr.rel @p2 .LBB2_33-.Ltmp22, $4  }
0x130: {  	v2 =	vld [tilespmem:s5+$0x0];
	v5 =	vperm.xlane v0, v5;
	[tilespmem:s15+$0x10] =	vst v1  }
0x131: {  	v1 =	vld [tilespmem:s5+$0x10];
	v8 =	vperm.xlane v0, v8;
	[tilespmem:s15+$0x20] =	vst v3  }
0x132: {  	v6 =	vperm.xlane v0, v6;
	v3 =	vld [tilespmem:s5+$0x20];
	[tilespmem:s15+$0xFFFFFFC0] =	vst v5;
	s15 =	sadd.s32 $0x80, s15  }
0x133: {  	v5 =	vld [tilespmem:s5+$0xFFFFFFC0];
	v7 =	vperm.xlane v0, v7;
	[tilespmem:s15+$0x30] =	vst v8;
	s5 =	sadd.s32 $0x80, s5  }
0x134: {  	[tilespmem:s15+$0xFFFFFFD0] =	vst v6;
	v4 =	vperm.xlane v0, v4  }
0x135: {  	[tilespmem:s15+$0xFFFFFFE0] =	vst v7;
	v2 =	vperm.xlane v0, v2  }
0x136: {  	[tilespmem:s15+$0xFFFFFFF0] =	vst v4;
	v1 =	vperm.xlane v0, v1  }
.Ltmp23:
0x137: {  	[tilespmem:s15+$0x0] =	vst v2;
	v2 =	vperm.xlane v0, v3;
	(pc) =	sbr.rel @p1 .LBB2_36-.Ltmp23, $4  }
0x138: {  	v3 =	vperm.xlane v0, v5;
	[tilespmem:s15+$0x10] =	vst v1  }
0x139: {  	[tilespmem:s15+$0x20] =	vst v2  }
0x13a: {  	s5 =	sadd.s32 s21, s29;
	s20 =	simm.s32 $0xD080;
	[tilespmem:s15+$0xFFFFFFC0] =	vst v3  }
0x13b: {  	[hbm4b:s5+s4] =	stream.strided.scatter [tilespmem:s20], [sflag:$0xE], $0x1000, s2, s4, $0x38;
	[tilespmem:$0x10080] =	vst v63  }
.Ltmp24:
0x13c: {  	(pc) =	sbr.rel .LBB2_37-.Ltmp24, $4  }
0x13d: {  	_ = 	snop  }
0x13e: {  	_ =	swait.ge [sflag:s17], $0x1000  }
0x13f: {  	[sflag:s17] =	ssyncset.done $0x0  }
0x140: {  	[sflag:s17] =	ssyncadd.s32 $0xFFFFF000  }
.LBB2_36:
0x141: {  	s5 =	sadd.s32 s16, s22  }
0x142: {  	s5 =	sshll.u32 s5, $0x9  }
0x143: {  	s15 =	rddreg [dreg:$0xe];
	s5 =	sand.u32 $0x3FF000, s5  }
.Ltmp25:
0x144: {  	s20 =	simm.s32 $0x5080;
	s5 =	sadd.s32 s5, s15;
	(pc) =	sbr.rel @p0 .LBB2_38-.Ltmp25, $4  }
0x145: {  	[tilespmem:s20], [sflag:$0x6] =	stream.strided.gather [hbm4b:s5+s4], $0x1000, s2, s4, $0x38;
	[tilespmem:$0x10080] =	vst v63  }
0x146: {  	_ =	swait.ge [sflag:s17], $0x1000  }
0x147: {  	[sflag:s17] =	ssyncset.done $0x0  }
0x148: {  	[sflag:s17] =	ssyncadd.s32 $0xFFFFF000  }
.LBB2_37:
0x149: {  	_ =	swait.ge [sflag:s18], $0x1000  }
0x14a: {  	[sflag:s18] =	ssyncset.done $0x0  }
0x14b: {  	[sflag:s18] =	ssyncadd.s32 $0xFFFFF000  }
.LBB2_38:
0x14c: {  	s5 =	simm.s32 $0x60C0  }
0x14d: {  	v3 =	vld [tilespmem:s5+$0x30]  }
0x14e: {  	v5 =	vld [tilespmem:s5+$0xFFFFFFD0]  }
0x14f: {  	v7 =	vld [tilespmem:s5+$0xFFFFFFE0]  }
0x150: {  	v4 =	vld [tilespmem:s5+$0xFFFFFFF0]  }
0x151: {  	v2 =	vld [tilespmem:s5+$0x0]  }
0x152: {  	v1 =	vld [tilespmem:s5+$0x10];
	v8 =	vperm.xlane v0, v3  }
0x153: {  	s15 =	simm.s32 $0xE0C0;
	v3 =	vld [tilespmem:s5+$0x20];
	v6 =	vperm.xlane v0, v5  }
0x154: {  	s20 =	simm.s32 $0x0;
	v5 =	vld [tilespmem:s5+$0xFFFFFFC0];
	v7 =	vperm.xlane v0, v7;
	s5 =	simm.s32 $0x6140;
	[tilespmem:s15+$0x30] =	vst v8  }
.LBB2_39:
0x155: {  	v8 =	vld [tilespmem:s5+$0x30];
	s20 =	sadd.s32 $0x8, s20;
	[tilespmem:s15+$0xFFFFFFD0] =	vst v6;
	v4 =	vperm.xlane v0, v4  }
0x156: {  	v6 =	vld [tilespmem:s5+$0xFFFFFFD0];
	p2 =	slt.u32 s20, $0xF8;
	[tilespmem:s15+$0xFFFFFFE0] =	vst v7;
	v2 =	vperm.xlane v0, v2  }
0x157: {  	v7 =	vld [tilespmem:s5+$0xFFFFFFE0];
	[tilespmem:s15+$0xFFFFFFF0] =	vst v4;
	v1 =	vperm.xlane v0, v1  }
.Ltmp26:
0x158: {  	v4 =	vld [tilespmem:s5+$0xFFFFFFF0];
	[tilespmem:s15+$0x0] =	vst v2;
	v3 =	vperm.xlane v0, v3;
	(pc) =	sbr.rel @p2 .LBB2_39-.Ltmp26, $4  }
0x159: {  	v2 =	vld [tilespmem:s5+$0x0];
	v5 =	vperm.xlane v0, v5;
	[tilespmem:s15+$0x10] =	vst v1  }
0x15a: {  	v1 =	vld [tilespmem:s5+$0x10];
	v8 =	vperm.xlane v0, v8;
	[tilespmem:s15+$0x20] =	vst v3  }
0x15b: {  	v6 =	vperm.xlane v0, v6;
	v3 =	vld [tilespmem:s5+$0x20];
	[tilespmem:s15+$0xFFFFFFC0] =	vst v5;
	s15 =	sadd.s32 $0x80, s15  }
0x15c: {  	v5 =	vld [tilespmem:s5+$0xFFFFFFC0];
	v7 =	vperm.xlane v0, v7;
	[tilespmem:s15+$0x30] =	vst v8;
	s5 =	sadd.s32 $0x80, s5  }
0x15d: {  	[tilespmem:s15+$0xFFFFFFD0] =	vst v6;
	v4 =	vperm.xlane v0, v4  }
0x15e: {  	[tilespmem:s15+$0xFFFFFFE0] =	vst v7;
	v2 =	vperm.xlane v0, v2  }
0x15f: {  	[tilespmem:s15+$0xFFFFFFF0] =	vst v4;
	v1 =	vperm.xlane v0, v1  }
.Ltmp27:
0x160: {  	[tilespmem:s15+$0x0] =	vst v2;
	v2 =	vperm.xlane v0, v3;
	(pc) =	sbr.rel @p1 .LBB2_42-.Ltmp27, $4  }
0x161: {  	v3 =	vperm.xlane v0, v5;
	[tilespmem:s15+$0x10] =	vst v1  }
0x162: {  	[tilespmem:s15+$0x20] =	vst v2  }
0x163: {  	s5 =	sadd.s32 s21, s30;
	s20 =	simm.s32 $0xE080;
	[tilespmem:s15+$0xFFFFFFC0] =	vst v3  }
0x164: {  	[hbm4b:s5+s4] =	stream.strided.scatter [tilespmem:s20], [sflag:$0xF], $0x1000, s2, s4, $0x38;
	[tilespmem:$0x10080] =	vst v63  }
.Ltmp28:
0x165: {  	(pc) =	sbr.rel .LBB2_43-.Ltmp28, $4  }
0x166: {  	_ = 	snop  }
0x167: {  	_ =	swait.ge [sflag:s1], $0x1000  }
0x168: {  	[sflag:s1] =	ssyncset.done $0x0  }
0x169: {  	[sflag:s1] =	ssyncadd.s32 $0xFFFFF000  }
.LBB2_42:
0x16a: {  	s5 =	sadd.s32 s16, s22  }
0x16b: {  	s5 =	sshll.u32 s5, $0x9  }
0x16c: {  	s15 =	rddreg [dreg:$0xf];
	s5 =	sand.u32 $0x3FF000, s5  }
.Ltmp29:
0x16d: {  	s20 =	simm.s32 $0x6080;
	s5 =	sadd.s32 s5, s15;
	(pc) =	sbr.rel @p0 .LBB2_44-.Ltmp29, $4  }
0x16e: {  	[tilespmem:s20], [sflag:$0x7] =	stream.strided.gather [hbm4b:s5+s4], $0x1000, s2, s4, $0x38;
	[tilespmem:$0x10080] =	vst v63  }
0x16f: {  	_ =	swait.ge [sflag:s1], $0x1000  }
0x170: {  	[sflag:s1] =	ssyncset.done $0x0  }
0x171: {  	[sflag:s1] =	ssyncadd.s32 $0xFFFFF000  }
.LBB2_43:
0x172: {  	_ =	swait.ge [sflag:s9], $0x1000  }
0x173: {  	[sflag:s9] =	ssyncset.done $0x0  }
0x174: {  	[sflag:s9] =	ssyncadd.s32 $0xFFFFF000  }
.LBB2_44:
0x175: {  	s5 =	simm.s32 $0x70C0  }
0x176: {  	v3 =	vld [tilespmem:s5+$0x30]  }
0x177: {  	v5 =	vld [tilespmem:s5+$0xFFFFFFD0]  }
0x178: {  	v7 =	vld [tilespmem:s5+$0xFFFFFFE0]  }
0x179: {  	v4 =	vld [tilespmem:s5+$0xFFFFFFF0]  }
0x17a: {  	v2 =	vld [tilespmem:s5+$0x0]  }
0x17b: {  	v1 =	vld [tilespmem:s5+$0x10];
	v8 =	vperm.xlane v0, v3  }
0x17c: {  	s15 =	simm.s32 $0xF0C0;
	v3 =	vld [tilespmem:s5+$0x20];
	v6 =	vperm.xlane v0, v5  }
0x17d: {  	s20 =	simm.s32 $0x0;
	v5 =	vld [tilespmem:s5+$0xFFFFFFC0];
	v7 =	vperm.xlane v0, v7;
	s5 =	simm.s32 $0x7140;
	[tilespmem:s15+$0x30] =	vst v8  }
.LBB2_45:
0x17e: {  	v8 =	vld [tilespmem:s5+$0x30];
	s20 =	sadd.s32 $0x8, s20;
	[tilespmem:s15+$0xFFFFFFD0] =	vst v6;
	v4 =	vperm.xlane v0, v4  }
0x17f: {  	v6 =	vld [tilespmem:s5+$0xFFFFFFD0];
	p0 =	slt.u32 s20, $0xF8;
	[tilespmem:s15+$0xFFFFFFE0] =	vst v7;
	v2 =	vperm.xlane v0, v2  }
0x180: {  	v7 =	vld [tilespmem:s5+$0xFFFFFFE0];
	[tilespmem:s15+$0xFFFFFFF0] =	vst v4;
	v1 =	vperm.xlane v0, v1  }
.Ltmp30:
0x181: {  	v4 =	vld [tilespmem:s5+$0xFFFFFFF0];
	[tilespmem:s15+$0x0] =	vst v2;
	v3 =	vperm.xlane v0, v3;
	(pc) =	sbr.rel @p0 .LBB2_45-.Ltmp30, $4  }
0x182: {  	v2 =	vld [tilespmem:s5+$0x0];
	v5 =	vperm.xlane v0, v5;
	[tilespmem:s15+$0x10] =	vst v1  }
0x183: {  	v1 =	vld [tilespmem:s5+$0x10];
	v8 =	vperm.xlane v0, v8;
	[tilespmem:s15+$0x20] =	vst v3  }
0x184: {  	v6 =	vperm.xlane v0, v6;
	v3 =	vld [tilespmem:s5+$0x20];
	[tilespmem:s15+$0xFFFFFFC0] =	vst v5;
	s15 =	sadd.s32 $0x80, s15  }
0x185: {  	v5 =	vld [tilespmem:s5+$0xFFFFFFC0];
	v7 =	vperm.xlane v0, v7;
	[tilespmem:s15+$0x30] =	vst v8;
	s5 =	sadd.s32 $0x80, s5  }
0x186: {  	[tilespmem:s15+$0xFFFFFFD0] =	vst v6;
	v4 =	vperm.xlane v0, v4  }
0x187: {  	[tilespmem:s15+$0xFFFFFFE0] =	vst v7;
	v2 =	vperm.xlane v0, v2  }
0x188: {  	p0 =	seq.s32 s10, $0xF;
	[tilespmem:s15+$0xFFFFFFF0] =	vst v4;
	v1 =	vperm.xlane v0, v1  }
.Ltmp31:
0x189: {  	[tilespmem:s15+$0x0] =	vst v2;
	v2 =	vperm.xlane v0, v3;
	(pc) =	sbr.rel @p0 .LBB2_48-.Ltmp31, $4  }
0x18a: {  	v3 =	vperm.xlane v0, v5;
	[tilespmem:s15+$0x10] =	vst v1  }
0x18b: {  	[tilespmem:s15+$0x20] =	vst v2  }
0x18c: {  	s5 =	sadd.s32 s21, s31;
	s21 =	simm.s32 $0xF080;
	[tilespmem:s15+$0xFFFFFFC0] =	vst v3  }
0x18d: {  	[hbm4b:s5+s4] =	stream.strided.scatter [tilespmem:s21], [sflag:$0x10], $0x1000, s2, s4, $0x38;
	[tilespmem:$0x10080] =	vst v63  }
.Ltmp32:
0x18e: {  	s5 =	sadd.s32 s16, s22;
	(pc) =	sbr.rel .LBB2_2-.Ltmp32, $4  }
0x18f: {  	s5 =	sshll.u32 s5, $0x9  }
0x190: {  	s15 =	rddreg [dreg:$0x12];
	s5 =	sand.u32 $0x3FF000, s5  }
0x191: {  	s21 =	simm.s32 $0x7080;
	s10 =	sadd.s32 $0x1, s10;
	s5 =	sadd.s32 s5, s15  }
0x192: {  	[tilespmem:s21], [sflag:$0x8] =	stream.strided.gather [hbm4b:s5+s4], $0x1000, s2, s4, $0x38;
	[tilespmem:$0x10080] =	vst v63  }
.LBB2_49:
0x193: {  	_ =	sfence.sel $0x180000  }
0x194: {  	[bflag:$0x0] =	sbarrier.arrive $0xFFFF  }
0x195: {  	_ =	strace $0x90000047  }
0x196: {  	s0 =	stileid.u32;
	[bflag:$0x2] =	sbarrier.arrive $0xFFFF  }
0x197: {  	p0 =	sne.s32 s0, $0x0;
	s0 =	rddreg [dreg:$0x3]  }
0x198: {  	s0 =	sadd.s32 @!p0 $0x100000, s0  }
0x199: {  	[sflag:s0] =	ssyncadd.tile.s32 @!p0 $0x1;
	_ =	shalt  }
.Lfunc_end2:
_tile_overlayer_lowered:
.L_overlay_start_2:
0x19a: {  	(tag) =	ssettag $0x2  }
0x19b: {  	s0 =	rddreg [dreg:$0x0];
	s2 =	stileid.u32  }
0x19c: {  	s1 =	rddreg [dreg:$0x1];
	p0 =	sne.s32 s2, $0x0  }
0x19d: {  	s3 =	rddreg [dreg:$0x2];
	[bflag:$0x3] =	sbarrier.arrive $0xFFFF;
	s2 =	simm.s32 @!p0 $0x1C11  }
0x19e: {  	[timem:s3], [sflag:s2] =	dma.local @!p0 [hbm:s0], s1  }
0x19f: {  	s0 =	simm.s32 @!p0 $0x11  }
0x1a0: {  	_ =	swait.ge @!p0 [sflag:s0], s1  }
0x1a1: {  	s1 =	ssub.s32 @!p0 $0x0, s1;
	[sflag:s0] =	ssyncset.done @!p0 $0x0  }
0x1a2: {  	[sflag:s0] =	ssyncadd.s32 @!p0 s1  }
0x1a3: {  	[bflag:$0x3] =	sbarrier.arrive $0xFFFF  }
0x1a4: {  	_ =	shalt  }

</sc_bundles>
